<compile_context>
chip_gen: v7x
topology: tpu7x:2x2x1
jax: 0.10.2.dev20260603
libtpu: 0.0.44.dev20260713+nightly
codegen_flags: <defaults>
</compile_context>

<pallas_src>
import functools

import jax
import jax.numpy as jnp
from jax import lax
from jax.experimental import pallas as pl
from jax.experimental.pallas import tpu as pltpu
from jax.experimental.pallas import tpu_sc as plsc


def _argmin_latents(x, x2r, e2c, emb, KT):
    B, D, L = x.shape
    K = emb.shape[0]
    NT = K // KT

    def body(x_ref, e2_ref, x2_ref, emb_ref, out_ref):
        xb = x_ref[0] * (-2.0)
        x2b = x2_ref[0]
        NB = 8
        RB = KT // NB
        li = lax.broadcasted_iota(jnp.int32, (RB, L), 0).astype(jnp.float32)

        run_v = jnp.full((1, L), jnp.inf, jnp.float32)
        run_i = jnp.zeros((1, L), jnp.float32)
        for t in range(NT):
            et = emb_ref[pl.ds(t * KT, KT), :]
            c2 = lax.dot_general(et, xb, (((1,), (0,)), ((), ())))
            e2t = e2_ref[pl.ds(t * KT, KT), :]
            dist = x2b + c2 + e2t
            blks = [dist[b * RB:(b + 1) * RB, :] for b in range(NB)]
            bms = [jnp.min(blk, axis=0, keepdims=True) for blk in blks]
            tv = bms[0]
            for b in range(1, NB):
                tv = jnp.minimum(tv, bms[b])
            wb = jnp.full((1, L), float(NB), jnp.float32)
            for b in range(NB - 1, -1, -1):
                wb = jnp.where(bms[b] == tv, float(b), wb)
            dwin = blks[NB - 1]
            for b in range(NB - 2, -1, -1):
                dwin = jnp.where(wb == float(b), blks[b], dwin)
            ti = (jnp.min(jnp.where(dwin == tv, li, float(K)), axis=0,
                          keepdims=True)
                  + wb * float(RB) + float(t * KT))
            upd = tv < run_v
            run_v = jnp.where(upd, tv, run_v)
            run_i = jnp.where(upd, ti, run_i)
        out_ref[0] = run_i.astype(jnp.int32)

    return pl.pallas_call(
        body,
        grid=(B,),
        in_specs=[
            pl.BlockSpec((1, D, L), lambda b: (b, 0, 0)),
            pl.BlockSpec((K, 1), lambda b: (0, 0)),
            pl.BlockSpec((1, 1, L), lambda b: (b, 0, 0)),
            pl.BlockSpec((K, D), lambda b: (0, 0)),
        ],
        out_specs=pl.BlockSpec((1, 1, L), lambda b: (b, 0, 0)),
        out_shape=jax.ShapeDtypeStruct((B, 1, L), jnp.int32),
    )(x, e2c, x2r, emb)


def _sc_gather(emb, idx):
    info = plsc.get_sparse_core_info()
    NC, NS = info.num_cores, info.num_subcores
    NW = NC * NS
    N = idx.shape[0]
    D = emb.shape[1]
    bpw = N // NW
    mesh = plsc.VectorSubcoreMesh(core_axis_name="c", subcore_axis_name="s")

    @functools.partial(
        pl.kernel,
        mesh=mesh,
        out_type=jax.ShapeDtypeStruct((N, D), jnp.float32),
        scratch_types=[
            pltpu.VMEM((bpw,), jnp.int32),
            pltpu.VMEM((bpw, D), jnp.float32),
            pltpu.SemaphoreType.DMA,
        ],
    )
    def gk(table_hbm, idx_hbm, out_hbm, idx_v, rows_v, sem):
        wid = lax.axis_index("s") * NC + lax.axis_index("c")
        base = wid * bpw
        pltpu.sync_copy(idx_hbm.at[pl.ds(base, bpw)], idx_v)
        pltpu.async_copy(table_hbm.at[idx_v], rows_v, sem).wait()
        pltpu.sync_copy(rows_v, out_hbm.at[pl.ds(base, bpw)])

    return gk(emb, idx)


def _transpose_out(q):
    B, L, D = q.shape

    def body(q_ref, o_ref, o2_ref):
        qt = q_ref[0].T
        o_ref[0] = qt
        o2_ref[0] = qt

    return pl.pallas_call(
        body,
        grid=(B,),
        in_specs=[pl.BlockSpec((1, L, D), lambda b: (b, 0, 0))],
        out_specs=[pl.BlockSpec((1, D, L), lambda b: (b, 0, 0)),
                   pl.BlockSpec((1, D, L), lambda b: (b, 0, 0))],
        out_shape=[jax.ShapeDtypeStruct((B, D, L), jnp.float32),
                   jax.ShapeDtypeStruct((B, D, L), jnp.float32)],
    )(q)


def kernel(input, embedding):
    B, D, L = input.shape
    K = embedding.shape[0]
    xT = jnp.transpose(input, (0, 2, 1))
    x2 = jnp.sum(xT * xT, axis=-1, keepdims=True)
    x2r = jnp.transpose(x2, (0, 2, 1))
    e2 = jnp.sum(embedding * embedding, axis=-1)
    lat = _argmin_latents(input, x2r, e2.reshape(K, 1), embedding, KT=1024)
    idx = lat.reshape(B * L)
    q = _sc_gather(embedding, idx)
    out, out2 = _transpose_out(q.reshape(B, L, D))
    return (out, out2)

# --- scband reference (transcript-rebuilt; emitter-appended) ---
"""Pipeline reference for scband-vector-quantizer-1597727834324 (READ-ONLY COPY).

The authoritative reference and input builder live on the scoring server;
editing this copy changes nothing except your own understanding.
"""

import jax, jax.numpy as jnp
import numpy as np


def setup_inputs(seed: int = 0) -> dict:
    key = jax.random.key(seed)
    k1, k2 = jax.random.split(key)
    inp = jax.random.normal(k1, (8, 256, 1024), dtype=jnp.float32)
    K, D = 8192, 256
    embedding = jax.random.uniform(k2, (K, D), dtype=jnp.float32, minval=-1.0 / K, maxval=1.0 / K)
    return {"input": inp, "embedding": embedding}


def reference(input, embedding):
    # input: [B, D, L] -> permute to [B, L, D]
    x = jnp.transpose(input, (0, 2, 1))
    # pairwise squared distances to codebook [K, D]
    x2 = jnp.sum(x * x, axis=-1, keepdims=True)            # [B, L, 1]
    e2 = jnp.sum(embedding * embedding, axis=-1)            # [K]
    cross = jnp.einsum('bld,kd->blk', x, embedding)         # [B, L, K]
    dist = x2 - 2.0 * cross + e2                            # [B, L, K]
    latents = jnp.argmin(dist, axis=-1)                     # [B, L]
    # quantized_st: nearest codebook vectors (straight-through in bwd)
    q = jnp.take(embedding, latents, axis=0)                # [B, L, D]
    quantized_st = jnp.transpose(q, (0, 2, 1))              # [B, D, L]
    # quantized: embedding lookup that carries grad to the codebook
    quantized = jnp.transpose(jnp.take(embedding, latents, axis=0), (0, 2, 1))
    return (quantized_st, quantized)

if __name__ == "__main__":
    import jax
    _d = setup_inputs()
    print(jax.jit(kernel)(*tuple(_d.values())))

</pallas_src>

<mosaic_0001>
#map = affine_map<(d0, d1) -> (0, 0)>
#map1 = affine_map<(d0, d1) -> (0)>
module attributes {stable_mosaic.version = 14 : i64} {
  func.func @gk(%arg0: i32, %arg1: i32, %arg2: memref<8192x256xf32, #tpu.memory_space<hbm>>, %arg3: memref<8192xi32, #tpu.memory_space<hbm>>, %arg4: memref<8192x256xf32, #tpu.memory_space<hbm>>, %arg5: memref<256xi32, #tpu.memory_space<vmem>>, %arg6: memref<256x256xf32, #tpu.memory_space<vmem>>, %arg7: memref<!tpu.dma_semaphore, #tpu.memory_space<semaphore_mem>>) attributes {dimension_semantics = [#tpu.dimension_semantics<core_parallel>, #tpu.dimension_semantics<subcore_parallel>], iteration_bounds = array<i64: 2, 16>, scalar_prefetch = 0 : i64, scratch_operands = 3 : i64, tpu.core_type = #tpu.core_type<sc_vector_subcore>, window_params = [{transform_indices = #map}, {transform_indices = #map1}, {transform_indices = #map}]} {
    %mul3A = arith.constant 2 : i32
    %mul3A_0 = arith.muli %arg1, %mul3A : i32
    %add3A = arith.addi %mul3A_0, %arg0 : i32
    %mul3A_1 = arith.constant 256 : i32
    %mul3A_2 = arith.muli %add3A, %mul3A_1 : i32
    "tpu.region"() ({
      %run_scoped3A = tpu.sem_alloc : memref<!tpu.dma_semaphore, #tpu.memory_space<semaphore_mem>>
      %dma_start3A_7 = tpu.memref_slice %arg3[%mul3A_2] : memref<8192xi32, #tpu.memory_space<hbm>> -> memref<256xi32, #tpu.memory_space<hbm>>
      %dma_start3A_8 = tpu.memref_slice %arg3[%mul3A_2] : memref<8192xi32, #tpu.memory_space<hbm>> -> memref<256xi32, #tpu.memory_space<hbm>>
      tpu.enqueue_dma source(%dma_start3A_8 : memref<256xi32, #tpu.memory_space<hbm>>) target(%arg5 : memref<256xi32, #tpu.memory_space<vmem>>) target_semaphore(%run_scoped3A : memref<!tpu.dma_semaphore, #tpu.memory_space<semaphore_mem>>)
      %dma_wait3A_9 = tpu.memref_slice %arg3[%mul3A_2] : memref<8192xi32, #tpu.memory_space<hbm>> -> memref<256xi32, #tpu.memory_space<hbm>>
      %dma_wait3A_10 = tpu.memref_slice %arg3[%mul3A_2] : memref<8192xi32, #tpu.memory_space<hbm>> -> memref<256xi32, #tpu.memory_space<hbm>>
      tpu.wait_dma2 semaphore(%run_scoped3A : memref<!tpu.dma_semaphore, #tpu.memory_space<semaphore_mem>>) src(%dma_wait3A_10 : memref<256xi32, #tpu.memory_space<hbm>>) dst(%arg5 : memref<256xi32, #tpu.memory_space<vmem>>)
      tpu.yield
    }) : () -> ()
    %dma_start3A = arith.constant 0 : i32
    %dma_start3A_3 = arith.constant 0 : i32
    %dma_start3A_4 = tpu.memref_slice %arg2[%dma_start3A, %dma_start3A_3] : memref<8192x256xf32, #tpu.memory_space<hbm>> -> memref<8192x256xf32, #tpu.memory_space<hbm>>
    tpu.enqueue_indirect_dma source(%dma_start3A_4 : memref<8192x256xf32, #tpu.memory_space<hbm>>) target(%arg6 : memref<256x256xf32, #tpu.memory_space<vmem>>) offsets(%arg5 : memref<256xi32, #tpu.memory_space<vmem>>) semaphore(%arg7 : memref<!tpu.dma_semaphore, #tpu.memory_space<semaphore_mem>>)
    %dma_wait3A = arith.constant 0 : i32
    %dma_wait3A_5 = arith.constant 0 : i32
    %dma_wait3A_6 = tpu.memref_slice %arg2[%dma_wait3A, %dma_wait3A_5] : memref<8192x256xf32, #tpu.memory_space<hbm>> -> memref<8192x256xf32, #tpu.memory_space<hbm>>
    tpu.wait_indirect_dma semaphore(%arg7 : memref<!tpu.dma_semaphore, #tpu.memory_space<semaphore_mem>>) src(%dma_wait3A_6 : memref<8192x256xf32, #tpu.memory_space<hbm>>) dst(%arg6 : memref<256x256xf32, #tpu.memory_space<vmem>>)
    "tpu.region"() ({
      %run_scoped3A = tpu.sem_alloc : memref<!tpu.dma_semaphore, #tpu.memory_space<semaphore_mem>>
      %dma_start3A_7 = arith.constant 0 : i32
      %dma_start3A_8 = tpu.memref_slice %arg4[%mul3A_2, %dma_start3A_7] : memref<8192x256xf32, #tpu.memory_space<hbm>> -> memref<256x256xf32, #tpu.memory_space<hbm>>
      %dma_start3A_9 = arith.constant 0 : i32
      %dma_start3A_10 = tpu.memref_slice %arg4[%mul3A_2, %dma_start3A_9] : memref<8192x256xf32, #tpu.memory_space<hbm>> -> memref<256x256xf32, #tpu.memory_space<hbm>>
      tpu.enqueue_dma source(%arg6 : memref<256x256xf32, #tpu.memory_space<vmem>>) target(%dma_start3A_10 : memref<256x256xf32, #tpu.memory_space<hbm>>) target_semaphore(%run_scoped3A : memref<!tpu.dma_semaphore, #tpu.memory_space<semaphore_mem>>)
      %dma_wait3A_11 = arith.constant 0 : i32
      %dma_wait3A_12 = tpu.memref_slice %arg4[%mul3A_2, %dma_wait3A_11] : memref<8192x256xf32, #tpu.memory_space<hbm>> -> memref<256x256xf32, #tpu.memory_space<hbm>>
      %dma_wait3A_13 = arith.constant 0 : i32
      %dma_wait3A_14 = tpu.memref_slice %arg4[%mul3A_2, %dma_wait3A_13] : memref<8192x256xf32, #tpu.memory_space<hbm>> -> memref<256x256xf32, #tpu.memory_space<hbm>>
      tpu.wait_dma2 semaphore(%run_scoped3A : memref<!tpu.dma_semaphore, #tpu.memory_space<semaphore_mem>>) src(%arg6 : memref<256x256xf32, #tpu.memory_space<vmem>>) dst(%dma_wait3A_14 : memref<256x256xf32, #tpu.memory_space<hbm>>)
      tpu.yield
    }) : () -> ()
    return
  }
}

module attributes {stable_mosaic.version = 14 : i64} {
  func.func @body(%arg0: i32, %arg1: memref<1x256x1024xf32, #tpu.memory_space<vmem>>, %arg2: memref<8192x1xf32, #tpu.memory_space<vmem>>, %arg3: memref<1x1x1024xf32, #tpu.memory_space<vmem>>, %arg4: memref<8192x256xf32, #tpu.memory_space<vmem>>, %arg5: memref<1x1x1024xi32, #tpu.memory_space<vmem>>) attributes {dimension_semantics = [#tpu.dimension_semantics<arbitrary>], iteration_bounds = array<i64: 8>, scalar_prefetch = 0 : i64, scratch_operands = 0 : i64, tpu.core_type = #tpu.core_type<tc>, window_params = [{transform_indices = @transform_0, window_bounds = array<i64: 1, 256, 1024>}, {pipeline_mode = #tpu.pipeline_mode<synchronous>, transform_indices = @transform_1, window_bounds = array<i64: 8192, 1>}, {transform_indices = @transform_2, window_bounds = array<i64: 1, 1, 1024>}, {pipeline_mode = #tpu.pipeline_mode<synchronous>, transform_indices = @transform_3, window_bounds = array<i64: 8192, 256>}, {transform_indices = @transform_4, window_bounds = array<i64: 1, 1, 1024>}]} {
    %get3A = arith.constant 0 : index
    %get3A_0 = arith.constant 0 : index
    %get3A_1 = arith.constant 0 : index
    %get3A_2 = vector.load %arg1[%get3A, %get3A_0, %get3A_1] : memref<1x256x1024xf32, #tpu.memory_space<vmem>>, vector<1x256x1024xf32>
    %get3A_3 = vector.shape_cast %get3A_2 : vector<1x256x1024xf32> to vector<256x1024xf32>
    %mul3A = arith.constant -2.000000e+00 : f32
    %mul3A_4 = vector.broadcast %mul3A : f32 to vector<256x1024xf32>
    %mul3A_5 = arith.mulf %get3A_3, %mul3A_4 : vector<256x1024xf32>
    %get3A_6 = arith.constant 0 : index
    %get3A_7 = arith.constant 0 : index
    %get3A_8 = arith.constant 0 : index
    %get3A_9 = vector.load %arg3[%get3A_6, %get3A_7, %get3A_8] : memref<1x1x1024xf32, #tpu.memory_space<vmem>>, vector<1x1x1024xf32>
    %get3A_10 = vector.shape_cast %get3A_9 : vector<1x1x1024xf32> to vector<1x1024xf32>
    %iota3A = tpu.iota {dimensions = array<i32: 0>} : vector<128x1024xi32>
    %convert_element_type3A = arith.sitofp %iota3A : vector<128x1024xi32> to vector<128x1024xf32>
    %broadcast_in_dim3A = arith.constant 0x7F800000 : f32
    %broadcast_in_dim3A_11 = vector.broadcast %broadcast_in_dim3A : f32 to vector<1x1024xf32>
    %broadcast_in_dim3A_12 = arith.constant 0.000000e+00 : f32
    %broadcast_in_dim3A_13 = vector.broadcast %broadcast_in_dim3A_12 : f32 to vector<1x1024xf32>
    %get3A_14 = arith.constant 0 : index
    %get3A_15 = arith.constant 0 : index
    %get3A_16 = vector.load %arg4[%get3A_14, %get3A_15] : memref<8192x256xf32, #tpu.memory_space<vmem>>, vector<1024x256xf32>
    %dot_general3A = arith.constant dense<0.000000e+00> : vector<1024x1024xf32>
    %dot_general3A_17 = tpu.matmul %get3A_16, %mul3A_5, %dot_general3A {dimension_numbers = #tpu.dot_dimension_numbers<[1], [0], [0], [1], [0, 0, 1, 1], [], []>, transpose_lhs_hint = false} : vector<1024x256xf32>, vector<256x1024xf32>, vector<1024x1024xf32> -> vector<1024x1024xf32>
    %get3A_18 = arith.constant 0 : index
    %get3A_19 = arith.constant 0 : index
    %get3A_20 = vector.load %arg2[%get3A_18, %get3A_19] : memref<8192x1xf32, #tpu.memory_space<vmem>>, vector<1024x1xf32>
    %add3A = vector.broadcast %get3A_10 : vector<1x1024xf32> to vector<1024x1024xf32>
    %add3A_21 = arith.addf %add3A, %dot_general3A_17 : vector<1024x1024xf32>
    %add3A_22 = vector.broadcast %get3A_20 : vector<1024x1xf32> to vector<1024x1024xf32>
    %add3A_23 = arith.addf %add3A_21, %add3A_22 : vector<1024x1024xf32>
    %slice3A = vector.extract_strided_slice %add3A_23 {offsets = [0, 0], sizes = [128, 1024], strides = [1, 1]} : vector<1024x1024xf32> to vector<128x1024xf32>
    %slice3A_24 = vector.extract_strided_slice %add3A_23 {offsets = [128, 0], sizes = [128, 1024], strides = [1, 1]} : vector<1024x1024xf32> to vector<128x1024xf32>
    %slice3A_25 = vector.extract_strided_slice %add3A_23 {offsets = [256, 0], sizes = [128, 1024], strides = [1, 1]} : vector<1024x1024xf32> to vector<128x1024xf32>
    %slice3A_26 = vector.extract_strided_slice %add3A_23 {offsets = [384, 0], sizes = [128, 1024], strides = [1, 1]} : vector<1024x1024xf32> to vector<128x1024xf32>
    %slice3A_27 = vector.extract_strided_slice %add3A_23 {offsets = [512, 0], sizes = [128, 1024], strides = [1, 1]} : vector<1024x1024xf32> to vector<128x1024xf32>
    %slice3A_28 = vector.extract_strided_slice %add3A_23 {offsets = [640, 0], sizes = [128, 1024], strides = [1, 1]} : vector<1024x1024xf32> to vector<128x1024xf32>
    %slice3A_29 = vector.extract_strided_slice %add3A_23 {offsets = [768, 0], sizes = [128, 1024], strides = [1, 1]} : vector<1024x1024xf32> to vector<128x1024xf32>
    %slice3A_30 = vector.extract_strided_slice %add3A_23 {offsets = [896, 0], sizes = [128, 1024], strides = [1, 1]} : vector<1024x1024xf32> to vector<128x1024xf32>
    %reduce_min3A = arith.constant dense<0x7F800000> : vector<1024xf32>
    %reduce_min3A_31 = vector.multi_reduction <minimumf>, %slice3A, %reduce_min3A [0] : vector<128x1024xf32> to vector<1024xf32>
    %broadcast_in_dim3A_32 = vector.shape_cast %reduce_min3A_31 : vector<1024xf32> to vector<1x1024xf32>
    %reduce_min3A_33 = arith.constant dense<0x7F800000> : vector<1024xf32>
    %reduce_min3A_34 = vector.multi_reduction <minimumf>, %slice3A_24, %reduce_min3A_33 [0] : vector<128x1024xf32> to vector<1024xf32>
    %broadcast_in_dim3A_35 = vector.shape_cast %reduce_min3A_34 : vector<1024xf32> to vector<1x1024xf32>
    %reduce_min3A_36 = arith.constant dense<0x7F800000> : vector<1024xf32>
    %reduce_min3A_37 = vector.multi_reduction <minimumf>, %slice3A_25, %reduce_min3A_36 [0] : vector<128x1024xf32> to vector<1024xf32>
    %broadcast_in_dim3A_38 = vector.shape_cast %reduce_min3A_37 : vector<1024xf32> to vector<1x1024xf32>
    %reduce_min3A_39 = arith.constant dense<0x7F800000> : vector<1024xf32>
    %reduce_min3A_40 = vector.multi_reduction <minimumf>, %slice3A_26, %reduce_min3A_39 [0] : vector<128x1024xf32> to vector<1024xf32>
    %broadcast_in_dim3A_41 = vector.shape_cast %reduce_min3A_40 : vector<1024xf32> to vector<1x1024xf32>
    %reduce_min3A_42 = arith.constant dense<0x7F800000> : vector<1024xf32>
    %reduce_min3A_43 = vector.multi_reduction <minimumf>, %slice3A_27, %reduce_min3A_42 [0] : vector<128x1024xf32> to vector<1024xf32>
    %broadcast_in_dim3A_44 = vector.shape_cast %reduce_min3A_43 : vector<1024xf32> to vector<1x1024xf32>
    %reduce_min3A_45 = arith.constant dense<0x7F800000> : vector<1024xf32>
    %reduce_min3A_46 = vector.multi_reduction <minimumf>, %slice3A_28, %reduce_min3A_45 [0] : vector<128x1024xf32> to vector<1024xf32>
    %broadcast_in_dim3A_47 = vector.shape_cast %reduce_min3A_46 : vector<1024xf32> to vector<1x1024xf32>
    %reduce_min3A_48 = arith.constant dense<0x7F800000> : vector<1024xf32>
    %reduce_min3A_49 = vector.multi_reduction <minimumf>, %slice3A_29, %reduce_min3A_48 [0] : vector<128x1024xf32> to vector<1024xf32>
    %broadcast_in_dim3A_50 = vector.shape_cast %reduce_min3A_49 : vector<1024xf32> to vector<1x1024xf32>
    %reduce_min3A_51 = arith.constant dense<0x7F800000> : vector<1024xf32>
    %reduce_min3A_52 = vector.multi_reduction <minimumf>, %slice3A_30, %reduce_min3A_51 [0] : vector<128x1024xf32> to vector<1024xf32>
    %broadcast_in_dim3A_53 = vector.shape_cast %reduce_min3A_52 : vector<1024xf32> to vector<1x1024xf32>
    %min3A = arith.minimumf %broadcast_in_dim3A_32, %broadcast_in_dim3A_35 : vector<1x1024xf32>
    %min3A_54 = arith.minimumf %min3A, %broadcast_in_dim3A_38 : vector<1x1024xf32>
    %min3A_55 = arith.minimumf %min3A_54, %broadcast_in_dim3A_41 : vector<1x1024xf32>
    %min3A_56 = arith.minimumf %min3A_55, %broadcast_in_dim3A_44 : vector<1x1024xf32>
    %min3A_57 = arith.minimumf %min3A_56, %broadcast_in_dim3A_47 : vector<1x1024xf32>
    %min3A_58 = arith.minimumf %min3A_57, %broadcast_in_dim3A_50 : vector<1x1024xf32>
    %min3A_59 = arith.minimumf %min3A_58, %broadcast_in_dim3A_53 : vector<1x1024xf32>
    %broadcast_in_dim3A_60 = arith.constant 8.000000e+00 : f32
    %broadcast_in_dim3A_61 = vector.broadcast %broadcast_in_dim3A_60 : f32 to vector<1x1024xf32>
    %eq3A = arith.cmpf oeq, %broadcast_in_dim3A_53, %min3A_59 : vector<1x1024xf32>
    %jit3A = arith.constant 7.000000e+00 : f32
    %broadcast_in_dim3A_62 = vector.broadcast %jit3A : f32 to vector<1x1024xf32>
    %select_n3A = arith.select %eq3A, %broadcast_in_dim3A_62, %broadcast_in_dim3A_61 : vector<1x1024xi1>, vector<1x1024xf32>
    %eq3A_63 = arith.cmpf oeq, %broadcast_in_dim3A_50, %min3A_59 : vector<1x1024xf32>
    %jit3A_64 = arith.constant 6.000000e+00 : f32
    %broadcast_in_dim3A_65 = vector.broadcast %jit3A_64 : f32 to vector<1x1024xf32>
    %select_n3A_66 = arith.select %eq3A_63, %broadcast_in_dim3A_65, %select_n3A : vector<1x1024xi1>, vector<1x1024xf32>
    %eq3A_67 = arith.cmpf oeq, %broadcast_in_dim3A_47, %min3A_59 : vector<1x1024xf32>
    %jit3A_68 = arith.constant 5.000000e+00 : f32
    %broadcast_in_dim3A_69 = vector.broadcast %jit3A_68 : f32 to vector<1x1024xf32>
    %select_n3A_70 = arith.select %eq3A_67, %broadcast_in_dim3A_69, %select_n3A_66 : vector<1x1024xi1>, vector<1x1024xf32>
    %eq3A_71 = arith.cmpf oeq, %broadcast_in_dim3A_44, %min3A_59 : vector<1x1024xf32>
    %jit3A_72 = arith.constant 4.000000e+00 : f32
    %broadcast_in_dim3A_73 = vector.broadcast %jit3A_72 : f32 to vector<1x1024xf32>
    %select_n3A_74 = arith.select %eq3A_71, %broadcast_in_dim3A_73, %select_n3A_70 : vector<1x1024xi1>, vector<1x1024xf32>
    %eq3A_75 = arith.cmpf oeq, %broadcast_in_dim3A_41, %min3A_59 : vector<1x1024xf32>
    %jit3A_76 = arith.constant 3.000000e+00 : f32
    %broadcast_in_dim3A_77 = vector.broadcast %jit3A_76 : f32 to vector<1x1024xf32>
    %select_n3A_78 = arith.select %eq3A_75, %broadcast_in_dim3A_77, %select_n3A_74 : vector<1x1024xi1>, vector<1x1024xf32>
    %eq3A_79 = arith.cmpf oeq, %broadcast_in_dim3A_38, %min3A_59 : vector<1x1024xf32>
    %jit3A_80 = arith.constant 2.000000e+00 : f32
    %broadcast_in_dim3A_81 = vector.broadcast %jit3A_80 : f32 to vector<1x1024xf32>
    %select_n3A_82 = arith.select %eq3A_79, %broadcast_in_dim3A_81, %select_n3A_78 : vector<1x1024xi1>, vector<1x1024xf32>
    %eq3A_83 = arith.cmpf oeq, %broadcast_in_dim3A_35, %min3A_59 : vector<1x1024xf32>
    %jit3A_84 = arith.constant 1.000000e+00 : f32
    %broadcast_in_dim3A_85 = vector.broadcast %jit3A_84 : f32 to vector<1x1024xf32>
    %select_n3A_86 = arith.select %eq3A_83, %broadcast_in_dim3A_85, %select_n3A_82 : vector<1x1024xi1>, vector<1x1024xf32>
    %eq3A_87 = arith.cmpf oeq, %broadcast_in_dim3A_32, %min3A_59 : vector<1x1024xf32>
    %jit3A_88 = arith.constant 0.000000e+00 : f32
    %broadcast_in_dim3A_89 = vector.broadcast %jit3A_88 : f32 to vector<1x1024xf32>
    %select_n3A_90 = arith.select %eq3A_87, %broadcast_in_dim3A_89, %select_n3A_86 : vector<1x1024xi1>, vector<1x1024xf32>
    %eq3A_91 = arith.constant 6.000000e+00 : f32
    %eq3A_92 = vector.broadcast %eq3A_91 : f32 to vector<1x1024xf32>
    %eq3A_93 = arith.cmpf oeq, %select_n3A_90, %eq3A_92 : vector<1x1024xf32>
    %broadcast_in_dim3A_94 = vector.shape_cast %eq3A_93 : vector<1x1024xi1> to vector<1x1024xi1>
    %broadcast_in_dim3A_95 = vector.broadcast %broadcast_in_dim3A_94 : vector<1x1024xi1> to vector<128x1024xi1>
    %select_n3A_96 = arith.select %broadcast_in_dim3A_95, %slice3A_29, %slice3A_30 : vector<128x1024xi1>, vector<128x1024xf32>
    %eq3A_97 = arith.constant 5.000000e+00 : f32
    %eq3A_98 = vector.broadcast %eq3A_97 : f32 to vector<1x1024xf32>
    %eq3A_99 = arith.cmpf oeq, %select_n3A_90, %eq3A_98 : vector<1x1024xf32>
    %broadcast_in_dim3A_100 = vector.shape_cast %eq3A_99 : vector<1x1024xi1> to vector<1x1024xi1>
    %broadcast_in_dim3A_101 = vector.broadcast %broadcast_in_dim3A_100 : vector<1x1024xi1> to vector<128x1024xi1>
    %select_n3A_102 = arith.select %broadcast_in_dim3A_101, %slice3A_28, %select_n3A_96 : vector<128x1024xi1>, vector<128x1024xf32>
    %eq3A_103 = arith.constant 4.000000e+00 : f32
    %eq3A_104 = vector.broadcast %eq3A_103 : f32 to vector<1x1024xf32>
    %eq3A_105 = arith.cmpf oeq, %select_n3A_90, %eq3A_104 : vector<1x1024xf32>
    %broadcast_in_dim3A_106 = vector.shape_cast %eq3A_105 : vector<1x1024xi1> to vector<1x1024xi1>
    %broadcast_in_dim3A_107 = vector.broadcast %broadcast_in_dim3A_106 : vector<1x1024xi1> to vector<128x1024xi1>
    %select_n3A_108 = arith.select %broadcast_in_dim3A_107, %slice3A_27, %select_n3A_102 : vector<128x1024xi1>, vector<128x1024xf32>
    %eq3A_109 = arith.constant 3.000000e+00 : f32
    %eq3A_110 = vector.broadcast %eq3A_109 : f32 to vector<1x1024xf32>
    %eq3A_111 = arith.cmpf oeq, %select_n3A_90, %eq3A_110 : vector<1x1024xf32>
    %broadcast_in_dim3A_112 = vector.shape_cast %eq3A_111 : vector<1x1024xi1> to vector<1x1024xi1>
    %broadcast_in_dim3A_113 = vector.broadcast %broadcast_in_dim3A_112 : vector<1x1024xi1> to vector<128x1024xi1>
    %select_n3A_114 = arith.select %broadcast_in_dim3A_113, %slice3A_26, %select_n3A_108 : vector<128x1024xi1>, vector<128x1024xf32>
    %eq3A_115 = arith.constant 2.000000e+00 : f32
    %eq3A_116 = vector.broadcast %eq3A_115 : f32 to vector<1x1024xf32>
    %eq3A_117 = arith.cmpf oeq, %select_n3A_90, %eq3A_116 : vector<1x1024xf32>
    %broadcast_in_dim3A_118 = vector.shape_cast %eq3A_117 : vector<1x1024xi1> to vector<1x1024xi1>
    %broadcast_in_dim3A_119 = vector.broadcast %broadcast_in_dim3A_118 : vector<1x1024xi1> to vector<128x1024xi1>
    %select_n3A_120 = arith.select %broadcast_in_dim3A_119, %slice3A_25, %select_n3A_114 : vector<128x1024xi1>, vector<128x1024xf32>
    %eq3A_121 = arith.constant 1.000000e+00 : f32
    %eq3A_122 = vector.broadcast %eq3A_121 : f32 to vector<1x1024xf32>
    %eq3A_123 = arith.cmpf oeq, %select_n3A_90, %eq3A_122 : vector<1x1024xf32>
    %broadcast_in_dim3A_124 = vector.shape_cast %eq3A_123 : vector<1x1024xi1> to vector<1x1024xi1>
    %broadcast_in_dim3A_125 = vector.broadcast %broadcast_in_dim3A_124 : vector<1x1024xi1> to vector<128x1024xi1>
    %select_n3A_126 = arith.select %broadcast_in_dim3A_125, %slice3A_24, %select_n3A_120 : vector<128x1024xi1>, vector<128x1024xf32>
    %eq3A_127 = arith.constant 0.000000e+00 : f32
    %eq3A_128 = vector.broadcast %eq3A_127 : f32 to vector<1x1024xf32>
    %eq3A_129 = arith.cmpf oeq, %select_n3A_90, %eq3A_128 : vector<1x1024xf32>
    %broadcast_in_dim3A_130 = vector.shape_cast %eq3A_129 : vector<1x1024xi1> to vector<1x1024xi1>
    %broadcast_in_dim3A_131 = vector.broadcast %broadcast_in_dim3A_130 : vector<1x1024xi1> to vector<128x1024xi1>
    %select_n3A_132 = arith.select %broadcast_in_dim3A_131, %slice3A, %select_n3A_126 : vector<128x1024xi1>, vector<128x1024xf32>
    %eq3A_133 = vector.broadcast %min3A_59 : vector<1x1024xf32> to vector<128x1024xf32>
    %eq3A_134 = arith.cmpf oeq, %select_n3A_132, %eq3A_133 : vector<128x1024xf32>
    %jit3A_135 = arith.constant 8.192000e+03 : f32
    %broadcast_in_dim3A_136 = vector.broadcast %jit3A_135 : f32 to vector<128x1024xf32>
    %select_n3A_137 = arith.select %eq3A_134, %convert_element_type3A, %broadcast_in_dim3A_136 : vector<128x1024xi1>, vector<128x1024xf32>
    %reduce_min3A_138 = arith.constant dense<0x7F800000> : vector<1024xf32>
    %reduce_min3A_139 = vector.multi_reduction <minimumf>, %select_n3A_137, %reduce_min3A_138 [0] : vector<128x1024xf32> to vector<1024xf32>
    %broadcast_in_dim3A_140 = vector.shape_cast %reduce_min3A_139 : vector<1024xf32> to vector<1x1024xf32>
    %mul3A_141 = arith.constant 1.280000e+02 : f32
    %mul3A_142 = vector.broadcast %mul3A_141 : f32 to vector<1x1024xf32>
    %mul3A_143 = arith.mulf %select_n3A_90, %mul3A_142 : vector<1x1024xf32>
    %add3A_144 = arith.addf %broadcast_in_dim3A_140, %mul3A_143 : vector<1x1024xf32>
    %add3A_145 = arith.constant 0.000000e+00 : f32
    %add3A_146 = vector.broadcast %add3A_145 : f32 to vector<1x1024xf32>
    %add3A_147 = arith.addf %add3A_144, %add3A_146 : vector<1x1024xf32>
    %lt3A = arith.cmpf olt, %min3A_59, %broadcast_in_dim3A_11 : vector<1x1024xf32>
    %select_n3A_148 = arith.select %lt3A, %min3A_59, %broadcast_in_dim3A_11 : vector<1x1024xi1>, vector<1x1024xf32>
    %select_n3A_149 = arith.select %lt3A, %add3A_147, %broadcast_in_dim3A_13 : vector<1x1024xi1>, vector<1x1024xf32>
    %get3A_150 = arith.constant 1024 : index
    %get3A_151 = arith.constant 0 : index
    %get3A_152 = vector.load %arg4[%get3A_150, %get3A_151] : memref<8192x256xf32, #tpu.memory_space<vmem>>, vector<1024x256xf32>
    %dot_general3A_153 = arith.constant dense<0.000000e+00> : vector<1024x1024xf32>
    %dot_general3A_154 = tpu.matmul %get3A_152, %mul3A_5, %dot_general3A_153 {dimension_numbers = #tpu.dot_dimension_numbers<[1], [0], [0], [1], [0, 0, 1, 1], [], []>, transpose_lhs_hint = false} : vector<1024x256xf32>, vector<256x1024xf32>, vector<1024x1024xf32> -> vector<1024x1024xf32>
    %get3A_155 = arith.constant 1024 : index
    %get3A_156 = arith.constant 0 : index
    %get3A_157 = vector.load %arg2[%get3A_155, %get3A_156] : memref<8192x1xf32, #tpu.memory_space<vmem>>, vector<1024x1xf32>
    %add3A_158 = vector.broadcast %get3A_10 : vector<1x1024xf32> to vector<1024x1024xf32>
    %add3A_159 = arith.addf %add3A_158, %dot_general3A_154 : vector<1024x1024xf32>
    %add3A_160 = vector.broadcast %get3A_157 : vector<1024x1xf32> to vector<1024x1024xf32>
    %add3A_161 = arith.addf %add3A_159, %add3A_160 : vector<1024x1024xf32>
    %slice3A_162 = vector.extract_strided_slice %add3A_161 {offsets = [0, 0], sizes = [128, 1024], strides = [1, 1]} : vector<1024x1024xf32> to vector<128x1024xf32>
    %slice3A_163 = vector.extract_strided_slice %add3A_161 {offsets = [128, 0], sizes = [128, 1024], strides = [1, 1]} : vector<1024x1024xf32> to vector<128x1024xf32>
    %slice3A_164 = vector.extract_strided_slice %add3A_161 {offsets = [256, 0], sizes = [128, 1024], strides = [1, 1]} : vector<1024x1024xf32> to vector<128x1024xf32>
    %slice3A_165 = vector.extract_strided_slice %add3A_161 {offsets = [384, 0], sizes = [128, 1024], strides = [1, 1]} : vector<1024x1024xf32> to vector<128x1024xf32>
    %slice3A_166 = vector.extract_strided_slice %add3A_161 {offsets = [512, 0], sizes = [128, 1024], strides = [1, 1]} : vector<1024x1024xf32> to vector<128x1024xf32>
    %slice3A_167 = vector.extract_strided_slice %add3A_161 {offsets = [640, 0], sizes = [128, 1024], strides = [1, 1]} : vector<1024x1024xf32> to vector<128x1024xf32>
    %slice3A_168 = vector.extract_strided_slice %add3A_161 {offsets = [768, 0], sizes = [128, 1024], strides = [1, 1]} : vector<1024x1024xf32> to vector<128x1024xf32>
    %slice3A_169 = vector.extract_strided_slice %add3A_161 {offsets = [896, 0], sizes = [128, 1024], strides = [1, 1]} : vector<1024x1024xf32> to vector<128x1024xf32>
    %reduce_min3A_170 = arith.constant dense<0x7F800000> : vector<1024xf32>
    %reduce_min3A_171 = vector.multi_reduction <minimumf>, %slice3A_162, %reduce_min3A_170 [0] : vector<128x1024xf32> to vector<1024xf32>
    %broadcast_in_dim3A_172 = vector.shape_cast %reduce_min3A_171 : vector<1024xf32> to vector<1x1024xf32>
    %reduce_min3A_173 = arith.constant dense<0x7F800000> : vector<1024xf32>
    %reduce_min3A_174 = vector.multi_reduction <minimumf>, %slice3A_163, %reduce_min3A_173 [0] : vector<128x1024xf32> to vector<1024xf32>
    %broadcast_in_dim3A_175 = vector.shape_cast %reduce_min3A_174 : vector<1024xf32> to vector<1x1024xf32>
    %reduce_min3A_176 = arith.constant dense<0x7F800000> : vector<1024xf32>
    %reduce_min3A_177 = vector.multi_reduction <minimumf>, %slice3A_164, %reduce_min3A_176 [0] : vector<128x1024xf32> to vector<1024xf32>
    %broadcast_in_dim3A_178 = vector.shape_cast %reduce_min3A_177 : vector<1024xf32> to vector<1x1024xf32>
    %reduce_min3A_179 = arith.constant dense<0x7F800000> : vector<1024xf32>
    %reduce_min3A_180 = vector.multi_reduction <minimumf>, %slice3A_165, %reduce_min3A_179 [0] : vector<128x1024xf32> to vector<1024xf32>
    %broadcast_in_dim3A_181 = vector.shape_cast %reduce_min3A_180 : vector<1024xf32> to vector<1x1024xf32>
    %reduce_min3A_182 = arith.constant dense<0x7F800000> : vector<1024xf32>
    %reduce_min3A_183 = vector.multi_reduction <minimumf>, %slice3A_166, %reduce_min3A_182 [0] : vector<128x1024xf32> to vector<1024xf32>
    %broadcast_in_dim3A_184 = vector.shape_cast %reduce_min3A_183 : vector<1024xf32> to vector<1x1024xf32>
    %reduce_min3A_185 = arith.constant dense<0x7F800000> : vector<1024xf32>
    %reduce_min3A_186 = vector.multi_reduction <minimumf>, %slice3A_167, %reduce_min3A_185 [0] : vector<128x1024xf32> to vector<1024xf32>
    %broadcast_in_dim3A_187 = vector.shape_cast %reduce_min3A_186 : vector<1024xf32> to vector<1x1024xf32>
    %reduce_min3A_188 = arith.constant dense<0x7F800000> : vector<1024xf32>
    %reduce_min3A_189 = vector.multi_reduction <minimumf>, %slice3A_168, %reduce_min3A_188 [0] : vector<128x1024xf32> to vector<1024xf32>
    %broadcast_in_dim3A_190 = vector.shape_cast %reduce_min3A_189 : vector<1024xf32> to vector<1x1024xf32>
    %reduce_min3A_191 = arith.constant dense<0x7F800000> : vector<1024xf32>
    %reduce_min3A_192 = vector.multi_reduction <minimumf>, %slice3A_169, %reduce_min3A_191 [0] : vector<128x1024xf32> to vector<1024xf32>
    %broadcast_in_dim3A_193 = vector.shape_cast %reduce_min3A_192 : vector<1024xf32> to vector<1x1024xf32>
    %min3A_194 = arith.minimumf %broadcast_in_dim3A_172, %broadcast_in_dim3A_175 : vector<1x1024xf32>
    %min3A_195 = arith.minimumf %min3A_194, %broadcast_in_dim3A_178 : vector<1x1024xf32>
    %min3A_196 = arith.minimumf %min3A_195, %broadcast_in_dim3A_181 : vector<1x1024xf32>
    %min3A_197 = arith.minimumf %min3A_196, %broadcast_in_dim3A_184 : vector<1x1024xf32>
    %min3A_198 = arith.minimumf %min3A_197, %broadcast_in_dim3A_187 : vector<1x1024xf32>
    %min3A_199 = arith.minimumf %min3A_198, %broadcast_in_dim3A_190 : vector<1x1024xf32>
    %min3A_200 = arith.minimumf %min3A_199, %broadcast_in_dim3A_193 : vector<1x1024xf32>
    %broadcast_in_dim3A_201 = arith.constant 8.000000e+00 : f32
    %broadcast_in_dim3A_202 = vector.broadcast %broadcast_in_dim3A_201 : f32 to vector<1x1024xf32>
    %eq3A_203 = arith.cmpf oeq, %broadcast_in_dim3A_193, %min3A_200 : vector<1x1024xf32>
    %jit3A_204 = arith.constant 7.000000e+00 : f32
    %broadcast_in_dim3A_205 = vector.broadcast %jit3A_204 : f32 to vector<1x1024xf32>
    %select_n3A_206 = arith.select %eq3A_203, %broadcast_in_dim3A_205, %broadcast_in_dim3A_202 : vector<1x1024xi1>, vector<1x1024xf32>
    %eq3A_207 = arith.cmpf oeq, %broadcast_in_dim3A_190, %min3A_200 : vector<1x1024xf32>
    %jit3A_208 = arith.constant 6.000000e+00 : f32
    %broadcast_in_dim3A_209 = vector.broadcast %jit3A_208 : f32 to vector<1x1024xf32>
    %select_n3A_210 = arith.select %eq3A_207, %broadcast_in_dim3A_209, %select_n3A_206 : vector<1x1024xi1>, vector<1x1024xf32>
    %eq3A_211 = arith.cmpf oeq, %broadcast_in_dim3A_187, %min3A_200 : vector<1x1024xf32>
    %jit3A_212 = arith.constant 5.000000e+00 : f32
    %broadcast_in_dim3A_213 = vector.broadcast %jit3A_212 : f32 to vector<1x1024xf32>
    %select_n3A_214 = arith.select %eq3A_211, %broadcast_in_dim3A_213, %select_n3A_210 : vector<1x1024xi1>, vector<1x1024xf32>
    %eq3A_215 = arith.cmpf oeq, %broadcast_in_dim3A_184, %min3A_200 : vector<1x1024xf32>
    %jit3A_216 = arith.constant 4.000000e+00 : f32
    %broadcast_in_dim3A_217 = vector.broadcast %jit3A_216 : f32 to vector<1x1024xf32>
    %select_n3A_218 = arith.select %eq3A_215, %broadcast_in_dim3A_217, %select_n3A_214 : vector<1x1024xi1>, vector<1x1024xf32>
    %eq3A_219 = arith.cmpf oeq, %broadcast_in_dim3A_181, %min3A_200 : vector<1x1024xf32>
    %jit3A_220 = arith.constant 3.000000e+00 : f32
    %broadcast_in_dim3A_221 = vector.broadcast %jit3A_220 : f32 to vector<1x1024xf32>
    %select_n3A_222 = arith.select %eq3A_219, %broadcast_in_dim3A_221, %select_n3A_218 : vector<1x1024xi1>, vector<1x1024xf32>
    %eq3A_223 = arith.cmpf oeq, %broadcast_in_dim3A_178, %min3A_200 : vector<1x1024xf32>
    %jit3A_224 = arith.constant 2.000000e+00 : f32
    %broadcast_in_dim3A_225 = vector.broadcast %jit3A_224 : f32 to vector<1x1024xf32>
    %select_n3A_226 = arith.select %eq3A_223, %broadcast_in_dim3A_225, %select_n3A_222 : vector<1x1024xi1>, vector<1x1024xf32>
    %eq3A_227 = arith.cmpf oeq, %broadcast_in_dim3A_175, %min3A_200 : vector<1x1024xf32>
    %jit3A_228 = arith.constant 1.000000e+00 : f32
    %broadcast_in_dim3A_229 = vector.broadcast %jit3A_228 : f32 to vector<1x1024xf32>
    %select_n3A_230 = arith.select %eq3A_227, %broadcast_in_dim3A_229, %select_n3A_226 : vector<1x1024xi1>, vector<1x1024xf32>
    %eq3A_231 = arith.cmpf oeq, %broadcast_in_dim3A_172, %min3A_200 : vector<1x1024xf32>
    %jit3A_232 = arith.constant 0.000000e+00 : f32
    %broadcast_in_dim3A_233 = vector.broadcast %jit3A_232 : f32 to vector<1x1024xf32>
    %select_n3A_234 = arith.select %eq3A_231, %broadcast_in_dim3A_233, %select_n3A_230 : vector<1x1024xi1>, vector<1x1024xf32>
    %eq3A_235 = arith.constant 6.000000e+00 : f32
    %eq3A_236 = vector.broadcast %eq3A_235 : f32 to vector<1x1024xf32>
    %eq3A_237 = arith.cmpf oeq, %select_n3A_234, %eq3A_236 : vector<1x1024xf32>
    %broadcast_in_dim3A_238 = vector.shape_cast %eq3A_237 : vector<1x1024xi1> to vector<1x1024xi1>
    %broadcast_in_dim3A_239 = vector.broadcast %broadcast_in_dim3A_238 : vector<1x1024xi1> to vector<128x1024xi1>
    %select_n3A_240 = arith.select %broadcast_in_dim3A_239, %slice3A_168, %slice3A_169 : vector<128x1024xi1>, vector<128x1024xf32>
    %eq3A_241 = arith.constant 5.000000e+00 : f32
    %eq3A_242 = vector.broadcast %eq3A_241 : f32 to vector<1x1024xf32>
    %eq3A_243 = arith.cmpf oeq, %select_n3A_234, %eq3A_242 : vector<1x1024xf32>
    %broadcast_in_dim3A_244 = vector.shape_cast %eq3A_243 : vector<1x1024xi1> to vector<1x1024xi1>
    %broadcast_in_dim3A_245 = vector.broadcast %broadcast_in_dim3A_244 : vector<1x1024xi1> to vector<128x1024xi1>
    %select_n3A_246 = arith.select %broadcast_in_dim3A_245, %slice3A_167, %select_n3A_240 : vector<128x1024xi1>, vector<128x1024xf32>
    %eq3A_247 = arith.constant 4.000000e+00 : f32
    %eq3A_248 = vector.broadcast %eq3A_247 : f32 to vector<1x1024xf32>
    %eq3A_249 = arith.cmpf oeq, %select_n3A_234, %eq3A_248 : vector<1x1024xf32>
    %broadcast_in_dim3A_250 = vector.shape_cast %eq3A_249 : vector<1x1024xi1> to vector<1x1024xi1>
    %broadcast_in_dim3A_251 = vector.broadcast %broadcast_in_dim3A_250 : vector<1x1024xi1> to vector<128x1024xi1>
    %select_n3A_252 = arith.select %broadcast_in_dim3A_251, %slice3A_166, %select_n3A_246 : vector<128x1024xi1>, vector<128x1024xf32>
    %eq3A_253 = arith.constant 3.000000e+00 : f32
    %eq3A_254 = vector.broadcast %eq3A_253 : f32 to vector<1x1024xf32>
    %eq3A_255 = arith.cmpf oeq, %select_n3A_234, %eq3A_254 : vector<1x1024xf32>
    %broadcast_in_dim3A_256 = vector.shape_cast %eq3A_255 : vector<1x1024xi1> to vector<1x1024xi1>
    %broadcast_in_dim3A_257 = vector.broadcast %broadcast_in_dim3A_256 : vector<1x1024xi1> to vector<128x1024xi1>
    %select_n3A_258 = arith.select %broadcast_in_dim3A_257, %slice3A_165, %select_n3A_252 : vector<128x1024xi1>, vector<128x1024xf32>
    %eq3A_259 = arith.constant 2.000000e+00 : f32
    %eq3A_260 = vector.broadcast %eq3A_259 : f32 to vector<1x1024xf32>
    %eq3A_261 = arith.cmpf oeq, %select_n3A_234, %eq3A_260 : vector<1x1024xf32>
    %broadcast_in_dim3A_262 = vector.shape_cast %eq3A_261 : vector<1x1024xi1> to vector<1x1024xi1>
    %broadcast_in_dim3A_263 = vector.broadcast %broadcast_in_dim3A_262 : vector<1x1024xi1> to vector<128x1024xi1>
    %select_n3A_264 = arith.select %broadcast_in_dim3A_263, %slice3A_164, %select_n3A_258 : vector<128x1024xi1>, vector<128x1024xf32>
    %eq3A_265 = arith.constant 1.000000e+00 : f32
    %eq3A_266 = vector.broadcast %eq3A_265 : f32 to vector<1x1024xf32>
    %eq3A_267 = arith.cmpf oeq, %select_n3A_234, %eq3A_266 : vector<1x1024xf32>
    %broadcast_in_dim3A_268 = vector.shape_cast %eq3A_267 : vector<1x1024xi1> to vector<1x1024xi1>
    %broadcast_in_dim3A_269 = vector.broadcast %broadcast_in_dim3A_268 : vector<1x1024xi1> to vector<128x1024xi1>
    %select_n3A_270 = arith.select %broadcast_in_dim3A_269, %slice3A_163, %select_n3A_264 : vector<128x1024xi1>, vector<128x1024xf32>
    %eq3A_271 = arith.constant 0.000000e+00 : f32
    %eq3A_272 = vector.broadcast %eq3A_271 : f32 to vector<1x1024xf32>
    %eq3A_273 = arith.cmpf oeq, %select_n3A_234, %eq3A_272 : vector<1x1024xf32>
    %broadcast_in_dim3A_274 = vector.shape_cast %eq3A_273 : vector<1x1024xi1> to vector<1x1024xi1>
    %broadcast_in_dim3A_275 = vector.broadcast %broadcast_in_dim3A_274 : vector<1x1024xi1> to vector<128x1024xi1>
    %select_n3A_276 = arith.select %broadcast_in_dim3A_275, %slice3A_162, %select_n3A_270 : vector<128x1024xi1>, vector<128x1024xf32>
    %eq3A_277 = vector.broadcast %min3A_200 : vector<1x1024xf32> to vector<128x1024xf32>
    %eq3A_278 = arith.cmpf oeq, %select_n3A_276, %eq3A_277 : vector<128x1024xf32>
    %jit3A_279 = arith.constant 8.192000e+03 : f32
    %broadcast_in_dim3A_280 = vector.broadcast %jit3A_279 : f32 to vector<128x1024xf32>
    %select_n3A_281 = arith.select %eq3A_278, %convert_element_type3A, %broadcast_in_dim3A_280 : vector<128x1024xi1>, vector<128x1024xf32>
    %reduce_min3A_282 = arith.constant dense<0x7F800000> : vector<1024xf32>
    %reduce_min3A_283 = vector.multi_reduction <minimumf>, %select_n3A_281, %reduce_min3A_282 [0] : vector<128x1024xf32> to vector<1024xf32>
    %broadcast_in_dim3A_284 = vector.shape_cast %reduce_min3A_283 : vector<1024xf32> to vector<1x1024xf32>
    %mul3A_285 = arith.constant 1.280000e+02 : f32
    %mul3A_286 = vector.broadcast %mul3A_285 : f32 to vector<1x1024xf32>
    %mul3A_287 = arith.mulf %select_n3A_234, %mul3A_286 : vector<1x1024xf32>
    %add3A_288 = arith.addf %broadcast_in_dim3A_284, %mul3A_287 : vector<1x1024xf32>
    %add3A_289 = arith.constant 1.024000e+03 : f32
    %add3A_290 = vector.broadcast %add3A_289 : f32 to vector<1x1024xf32>
    %add3A_291 = arith.addf %add3A_288, %add3A_290 : vector<1x1024xf32>
    %lt3A_292 = arith.cmpf olt, %min3A_200, %select_n3A_148 : vector<1x1024xf32>
    %select_n3A_293 = arith.select %lt3A_292, %min3A_200, %select_n3A_148 : vector<1x1024xi1>, vector<1x1024xf32>
    %select_n3A_294 = arith.select %lt3A_292, %add3A_291, %select_n3A_149 : vector<1x1024xi1>, vector<1x1024xf32>
    %get3A_295 = arith.constant 2048 : index
    %get3A_296 = arith.constant 0 : index
    %get3A_297 = vector.load %arg4[%get3A_295, %get3A_296] : memref<8192x256xf32, #tpu.memory_space<vmem>>, vector<1024x256xf32>
    %dot_general3A_298 = arith.constant dense<0.000000e+00> : vector<1024x1024xf32>
    %dot_general3A_299 = tpu.matmul %get3A_297, %mul3A_5, %dot_general3A_298 {dimension_numbers = #tpu.dot_dimension_numbers<[1], [0], [0], [1], [0, 0, 1, 1], [], []>, transpose_lhs_hint = false} : vector<1024x256xf32>, vector<256x1024xf32>, vector<1024x1024xf32> -> vector<1024x1024xf32>
    %get3A_300 = arith.constant 2048 : index
    %get3A_301 = arith.constant 0 : index
    %get3A_302 = vector.load %arg2[%get3A_300, %get3A_301] : memref<8192x1xf32, #tpu.memory_space<vmem>>, vector<1024x1xf32>
    %add3A_303 = vector.broadcast %get3A_10 : vector<1x1024xf32> to vector<1024x1024xf32>
    %add3A_304 = arith.addf %add3A_303, %dot_general3A_299 : vector<1024x1024xf32>
    %add3A_305 = vector.broadcast %get3A_302 : vector<1024x1xf32> to vector<1024x1024xf32>
    %add3A_306 = arith.addf %add3A_304, %add3A_305 : vector<1024x1024xf32>
    %slice3A_307 = vector.extract_strided_slice %add3A_306 {offsets = [0, 0], sizes = [128, 1024], strides = [1, 1]} : vector<1024x1024xf32> to vector<128x1024xf32>
    %slice3A_308 = vector.extract_strided_slice %add3A_306 {offsets = [128, 0], sizes = [128, 1024], strides = [1, 1]} : vector<1024x1024xf32> to vector<128x1024xf32>
    %slice3A_309 = vector.extract_strided_slice %add3A_306 {offsets = [256, 0], sizes = [128, 1024], strides = [1, 1]} : vector<1024x1024xf32> to vector<128x1024xf32>
    %slice3A_310 = vector.extract_strided_slice %add3A_306 {offsets = [384, 0], sizes = [128, 1024], strides = [1, 1]} : vector<1024x1024xf32> to vector<128x1024xf32>
    %slice3A_311 = vector.extract_strided_slice %add3A_306 {offsets = [512, 0], sizes = [128, 1024], strides = [1, 1]} : vector<1024x1024xf32> to vector<128x1024xf32>
    %slice3A_312 = vector.extract_strided_slice %add3A_306 {offsets = [640, 0], sizes = [128, 1024], strides = [1, 1]} : vector<1024x1024xf32> to vector<128x1024xf32>
    %slice3A_313 = vector.extract_strided_slice %add3A_306 {offsets = [768, 0], sizes = [128, 1024], strides = [1, 1]} : vector<1024x1024xf32> to vector<128x1024xf32>
    %slice3A_314 = vector.extract_strided_slice %add3A_306 {offsets = [896, 0], sizes = [128, 1024], strides = [1, 1]} : vector<1024x1024xf32> to vector<128x1024xf32>
    %reduce_min3A_315 = arith.constant dense<0x7F800000> : vector<1024xf32>
    %reduce_min3A_316 = vector.multi_reduction <minimumf>, %slice3A_307, %reduce_min3A_315 [0] : vector<128x1024xf32> to vector<1024xf32>
    %broadcast_in_dim3A_317 = vector.shape_cast %reduce_min3A_316 : vector<1024xf32> to vector<1x1024xf32>
    %reduce_min3A_318 = arith.constant dense<0x7F800000> : vector<1024xf32>
    %reduce_min3A_319 = vector.multi_reduction <minimumf>, %slice3A_308, %reduce_min3A_318 [0] : vector<128x1024xf32> to vector<1024xf32>
    %broadcast_in_dim3A_320 = vector.shape_cast %reduce_min3A_319 : vector<1024xf32> to vector<1x1024xf32>
    %reduce_min3A_321 = arith.constant dense<0x7F800000> : vector<1024xf32>
    %reduce_min3A_322 = vector.multi_reduction <minimumf>, %slice3A_309, %reduce_min3A_321 [0] : vector<128x1024xf32> to vector<1024xf32>
    %broadcast_in_dim3A_323 = vector.shape_cast %reduce_min3A_322 : vector<1024xf32> to vector<1x1024xf32>
    %reduce_min3A_324 = arith.constant dense<0x7F800000> : vector<1024xf32>
    %reduce_min3A_325 = vector.multi_reduction <minimumf>, %slice3A_310, %reduce_min3A_324 [0] : vector<128x1024xf32> to vector<1024xf32>
    %broadcast_in_dim3A_326 = vector.shape_cast %reduce_min3A_325 : vector<1024xf32> to vector<1x1024xf32>
    %reduce_min3A_327 = arith.constant dense<0x7F800000> : vector<1024xf32>
    %reduce_min3A_328 = vector.multi_reduction <minimumf>, %slice3A_311, %reduce_min3A_327 [0] : vector<128x1024xf32> to vector<1024xf32>
    %broadcast_in_dim3A_329 = vector.shape_cast %reduce_min3A_328 : vector<1024xf32> to vector<1x1024xf32>
    %reduce_min3A_330 = arith.constant dense<0x7F800000> : vector<1024xf32>
    %reduce_min3A_331 = vector.multi_reduction <minimumf>, %slice3A_312, %reduce_min3A_330 [0] : vector<128x1024xf32> to vector<1024xf32>
    %broadcast_in_dim3A_332 = vector.shape_cast %reduce_min3A_331 : vector<1024xf32> to vector<1x1024xf32>
    %reduce_min3A_333 = arith.constant dense<0x7F800000> : vector<1024xf32>
    %reduce_min3A_334 = vector.multi_reduction <minimumf>, %slice3A_313, %reduce_min3A_333 [0] : vector<128x1024xf32> to vector<1024xf32>
    %broadcast_in_dim3A_335 = vector.shape_cast %reduce_min3A_334 : vector<1024xf32> to vector<1x1024xf32>
    %reduce_min3A_336 = arith.constant dense<0x7F800000> : vector<1024xf32>
    %reduce_min3A_337 = vector.multi_reduction <minimumf>, %slice3A_314, %reduce_min3A_336 [0] : vector<128x1024xf32> to vector<1024xf32>
    %broadcast_in_dim3A_338 = vector.shape_cast %reduce_min3A_337 : vector<1024xf32> to vector<1x1024xf32>
    %min3A_339 = arith.minimumf %broadcast_in_dim3A_317, %broadcast_in_dim3A_320 : vector<1x1024xf32>
    %min3A_340 = arith.minimumf %min3A_339, %broadcast_in_dim3A_323 : vector<1x1024xf32>
    %min3A_341 = arith.minimumf %min3A_340, %broadcast_in_dim3A_326 : vector<1x1024xf32>
    %min3A_342 = arith.minimumf %min3A_341, %broadcast_in_dim3A_329 : vector<1x1024xf32>
    %min3A_343 = arith.minimumf %min3A_342, %broadcast_in_dim3A_332 : vector<1x1024xf32>
    %min3A_344 = arith.minimumf %min3A_343, %broadcast_in_dim3A_335 : vector<1x1024xf32>
    %min3A_345 = arith.minimumf %min3A_344, %broadcast_in_dim3A_338 : vector<1x1024xf32>
    %broadcast_in_dim3A_346 = arith.constant 8.000000e+00 : f32
    %broadcast_in_dim3A_347 = vector.broadcast %broadcast_in_dim3A_346 : f32 to vector<1x1024xf32>
    %eq3A_348 = arith.cmpf oeq, %broadcast_in_dim3A_338, %min3A_345 : vector<1x1024xf32>
    %jit3A_349 = arith.constant 7.000000e+00 : f32
    %broadcast_in_dim3A_350 = vector.broadcast %jit3A_349 : f32 to vector<1x1024xf32>
    %select_n3A_351 = arith.select %eq3A_348, %broadcast_in_dim3A_350, %broadcast_in_dim3A_347 : vector<1x1024xi1>, vector<1x1024xf32>
    %eq3A_352 = arith.cmpf oeq, %broadcast_in_dim3A_335, %min3A_345 : vector<1x1024xf32>
    %jit3A_353 = arith.constant 6.000000e+00 : f32
    %broadcast_in_dim3A_354 = vector.broadcast %jit3A_353 : f32 to vector<1x1024xf32>
    %select_n3A_355 = arith.select %eq3A_352, %broadcast_in_dim3A_354, %select_n3A_351 : vector<1x1024xi1>, vector<1x1024xf32>
    %eq3A_356 = arith.cmpf oeq, %broadcast_in_dim3A_332, %min3A_345 : vector<1x1024xf32>
    %jit3A_357 = arith.constant 5.000000e+00 : f32
    %broadcast_in_dim3A_358 = vector.broadcast %jit3A_357 : f32 to vector<1x1024xf32>
    %select_n3A_359 = arith.select %eq3A_356, %broadcast_in_dim3A_358, %select_n3A_355 : vector<1x1024xi1>, vector<1x1024xf32>
    %eq3A_360 = arith.cmpf oeq, %broadcast_in_dim3A_329, %min3A_345 : vector<1x1024xf32>
    %jit3A_361 = arith.constant 4.000000e+00 : f32
    %broadcast_in_dim3A_362 = vector.broadcast %jit3A_361 : f32 to vector<1x1024xf32>
    %select_n3A_363 = arith.select %eq3A_360, %broadcast_in_dim3A_362, %select_n3A_359 : vector<1x1024xi1>, vector<1x1024xf32>
    %eq3A_364 = arith.cmpf oeq, %broadcast_in_dim3A_326, %min3A_345 : vector<1x1024xf32>
    %jit3A_365 = arith.constant 3.000000e+00 : f32
    %broadcast_in_dim3A_366 = vector.broadcast %jit3A_365 : f32 to vector<1x1024xf32>
    %select_n3A_367 = arith.select %eq3A_364, %broadcast_in_dim3A_366, %select_n3A_363 : vector<1x1024xi1>, vector<1x1024xf32>
    %eq3A_368 = arith.cmpf oeq, %broadcast_in_dim3A_323, %min3A_345 : vector<1x1024xf32>
    %jit3A_369 = arith.constant 2.000000e+00 : f32
    %broadcast_in_dim3A_370 = vector.broadcast %jit3A_369 : f32 to vector<1x1024xf32>
    %select_n3A_371 = arith.select %eq3A_368, %broadcast_in_dim3A_370, %select_n3A_367 : vector<1x1024xi1>, vector<1x1024xf32>
    %eq3A_372 = arith.cmpf oeq, %broadcast_in_dim3A_320, %min3A_345 : vector<1x1024xf32>
    %jit3A_373 = arith.constant 1.000000e+00 : f32
    %broadcast_in_dim3A_374 = vector.broadcast %jit3A_373 : f32 to vector<1x1024xf32>
    %select_n3A_375 = arith.select %eq3A_372, %broadcast_in_dim3A_374, %select_n3A_371 : vector<1x1024xi1>, vector<1x1024xf32>
    %eq3A_376 = arith.cmpf oeq, %broadcast_in_dim3A_317, %min3A_345 : vector<1x1024xf32>
    %jit3A_377 = arith.constant 0.000000e+00 : f32
    %broadcast_in_dim3A_378 = vector.broadcast %jit3A_377 : f32 to vector<1x1024xf32>
    %select_n3A_379 = arith.select %eq3A_376, %broadcast_in_dim3A_378, %select_n3A_375 : vector<1x1024xi1>, vector<1x1024xf32>
    %eq3A_380 = arith.constant 6.000000e+00 : f32
    %eq3A_381 = vector.broadcast %eq3A_380 : f32 to vector<1x1024xf32>
    %eq3A_382 = arith.cmpf oeq, %select_n3A_379, %eq3A_381 : vector<1x1024xf32>
    %broadcast_in_dim3A_383 = vector.shape_cast %eq3A_382 : vector<1x1024xi1> to vector<1x1024xi1>
    %broadcast_in_dim3A_384 = vector.broadcast %broadcast_in_dim3A_383 : vector<1x1024xi1> to vector<128x1024xi1>
    %select_n3A_385 = arith.select %broadcast_in_dim3A_384, %slice3A_313, %slice3A_314 : vector<128x1024xi1>, vector<128x1024xf32>
    %eq3A_386 = arith.constant 5.000000e+00 : f32
    %eq3A_387 = vector.broadcast %eq3A_386 : f32 to vector<1x1024xf32>
    %eq3A_388 = arith.cmpf oeq, %select_n3A_379, %eq3A_387 : vector<1x1024xf32>
    %broadcast_in_dim3A_389 = vector.shape_cast %eq3A_388 : vector<1x1024xi1> to vector<1x1024xi1>
    %broadcast_in_dim3A_390 = vector.broadcast %broadcast_in_dim3A_389 : vector<1x1024xi1> to vector<128x1024xi1>
    %select_n3A_391 = arith.select %broadcast_in_dim3A_390, %slice3A_312, %select_n3A_385 : vector<128x1024xi1>, vector<128x1024xf32>
    %eq3A_392 = arith.constant 4.000000e+00 : f32
    %eq3A_393 = vector.broadcast %eq3A_392 : f32 to vector<1x1024xf32>
    %eq3A_394 = arith.cmpf oeq, %select_n3A_379, %eq3A_393 : vector<1x1024xf32>
    %broadcast_in_dim3A_395 = vector.shape_cast %eq3A_394 : vector<1x1024xi1> to vector<1x1024xi1>
    %broadcast_in_dim3A_396 = vector.broadcast %broadcast_in_dim3A_395 : vector<1x1024xi1> to vector<128x1024xi1>
    %select_n3A_397 = arith.select %broadcast_in_dim3A_396, %slice3A_311, %select_n3A_391 : vector<128x1024xi1>, vector<128x1024xf32>
    %eq3A_398 = arith.constant 3.000000e+00 : f32
    %eq3A_399 = vector.broadcast %eq3A_398 : f32 to vector<1x1024xf32>
    %eq3A_400 = arith.cmpf oeq, %select_n3A_379, %eq3A_399 : vector<1x1024xf32>
    %broadcast_in_dim3A_401 = vector.shape_cast %eq3A_400 : vector<1x1024xi1> to vector<1x1024xi1>
    %broadcast_in_dim3A_402 = vector.broadcast %broadcast_in_dim3A_401 : vector<1x1024xi1> to vector<128x1024xi1>
    %select_n3A_403 = arith.select %broadcast_in_dim3A_402, %slice3A_310, %select_n3A_397 : vector<128x1024xi1>, vector<128x1024xf32>
    %eq3A_404 = arith.constant 2.000000e+00 : f32
    %eq3A_405 = vector.broadcast %eq3A_404 : f32 to vector<1x1024xf32>
    %eq3A_406 = arith.cmpf oeq, %select_n3A_379, %eq3A_405 : vector<1x1024xf32>
    %broadcast_in_dim3A_407 = vector.shape_cast %eq3A_406 : vector<1x1024xi1> to vector<1x1024xi1>
    %broadcast_in_dim3A_408 = vector.broadcast %broadcast_in_dim3A_407 : vector<1x1024xi1> to vector<128x1024xi1>
    %select_n3A_409 = arith.select %broadcast_in_dim3A_408, %slice3A_309, %select_n3A_403 : vector<128x1024xi1>, vector<128x1024xf32>
    %eq3A_410 = arith.constant 1.000000e+00 : f32
    %eq3A_411 = vector.broadcast %eq3A_410 : f32 to vector<1x1024xf32>
    %eq3A_412 = arith.cmpf oeq, %select_n3A_379, %eq3A_411 : vector<1x1024xf32>
    %broadcast_in_dim3A_413 = vector.shape_cast %eq3A_412 : vector<1x1024xi1> to vector<1x1024xi1>
    %broadcast_in_dim3A_414 = vector.broadcast %broadcast_in_dim3A_413 : vector<1x1024xi1> to vector<128x1024xi1>
    %select_n3A_415 = arith.select %broadcast_in_dim3A_414, %slice3A_308, %select_n3A_409 : vector<128x1024xi1>, vector<128x1024xf32>
    %eq3A_416 = arith.constant 0.000000e+00 : f32
    %eq3A_417 = vector.broadcast %eq3A_416 : f32 to vector<1x1024xf32>
    %eq3A_418 = arith.cmpf oeq, %select_n3A_379, %eq3A_417 : vector<1x1024xf32>
    %broadcast_in_dim3A_419 = vector.shape_cast %eq3A_418 : vector<1x1024xi1> to vector<1x1024xi1>
    %broadcast_in_dim3A_420 = vector.broadcast %broadcast_in_dim3A_419 : vector<1x1024xi1> to vector<128x1024xi1>
    %select_n3A_421 = arith.select %broadcast_in_dim3A_420, %slice3A_307, %select_n3A_415 : vector<128x1024xi1>, vector<128x1024xf32>
    %eq3A_422 = vector.broadcast %min3A_345 : vector<1x1024xf32> to vector<128x1024xf32>
    %eq3A_423 = arith.cmpf oeq, %select_n3A_421, %eq3A_422 : vector<128x1024xf32>
    %jit3A_424 = arith.constant 8.192000e+03 : f32
    %broadcast_in_dim3A_425 = vector.broadcast %jit3A_424 : f32 to vector<128x1024xf32>
    %select_n3A_426 = arith.select %eq3A_423, %convert_element_type3A, %broadcast_in_dim3A_425 : vector<128x1024xi1>, vector<128x1024xf32>
    %reduce_min3A_427 = arith.constant dense<0x7F800000> : vector<1024xf32>
    %reduce_min3A_428 = vector.multi_reduction <minimumf>, %select_n3A_426, %reduce_min3A_427 [0] : vector<128x1024xf32> to vector<1024xf32>
    %broadcast_in_dim3A_429 = vector.shape_cast %reduce_min3A_428 : vector<1024xf32> to vector<1x1024xf32>
    %mul3A_430 = arith.constant 1.280000e+02 : f32
    %mul3A_431 = vector.broadcast %mul3A_430 : f32 to vector<1x1024xf32>
    %mul3A_432 = arith.mulf %select_n3A_379, %mul3A_431 : vector<1x1024xf32>
    %add3A_433 = arith.addf %broadcast_in_dim3A_429, %mul3A_432 : vector<1x1024xf32>
    %add3A_434 = arith.constant 2.048000e+03 : f32
    %add3A_435 = vector.broadcast %add3A_434 : f32 to vector<1x1024xf32>
    %add3A_436 = arith.addf %add3A_433, %add3A_435 : vector<1x1024xf32>
    %lt3A_437 = arith.cmpf olt, %min3A_345, %select_n3A_293 : vector<1x1024xf32>
    %select_n3A_438 = arith.select %lt3A_437, %min3A_345, %select_n3A_293 : vector<1x1024xi1>, vector<1x1024xf32>
    %select_n3A_439 = arith.select %lt3A_437, %add3A_436, %select_n3A_294 : vector<1x1024xi1>, vector<1x1024xf32>
    %get3A_440 = arith.constant 3072 : index
    %get3A_441 = arith.constant 0 : index
    %get3A_442 = vector.load %arg4[%get3A_440, %get3A_441] : memref<8192x256xf32, #tpu.memory_space<vmem>>, vector<1024x256xf32>
    %dot_general3A_443 = arith.constant dense<0.000000e+00> : vector<1024x1024xf32>
    %dot_general3A_444 = tpu.matmul %get3A_442, %mul3A_5, %dot_general3A_443 {dimension_numbers = #tpu.dot_dimension_numbers<[1], [0], [0], [1], [0, 0, 1, 1], [], []>, transpose_lhs_hint = false} : vector<1024x256xf32>, vector<256x1024xf32>, vector<1024x1024xf32> -> vector<1024x1024xf32>
    %get3A_445 = arith.constant 3072 : index
    %get3A_446 = arith.constant 0 : index
    %get3A_447 = vector.load %arg2[%get3A_445, %get3A_446] : memref<8192x1xf32, #tpu.memory_space<vmem>>, vector<1024x1xf32>
    %add3A_448 = vector.broadcast %get3A_10 : vector<1x1024xf32> to vector<1024x1024xf32>
    %add3A_449 = arith.addf %add3A_448, %dot_general3A_444 : vector<1024x1024xf32>
    %add3A_450 = vector.broadcast %get3A_447 : vector<1024x1xf32> to vector<1024x1024xf32>
    %add3A_451 = arith.addf %add3A_449, %add3A_450 : vector<1024x1024xf32>
    %slice3A_452 = vector.extract_strided_slice %add3A_451 {offsets = [0, 0], sizes = [128, 1024], strides = [1, 1]} : vector<1024x1024xf32> to vector<128x1024xf32>
    %slice3A_453 = vector.extract_strided_slice %add3A_451 {offsets = [128, 0], sizes = [128, 1024], strides = [1, 1]} : vector<1024x1024xf32> to vector<128x1024xf32>
    %slice3A_454 = vector.extract_strided_slice %add3A_451 {offsets = [256, 0], sizes = [128, 1024], strides = [1, 1]} : vector<1024x1024xf32> to vector<128x1024xf32>
    %slice3A_455 = vector.extract_strided_slice %add3A_451 {offsets = [384, 0], sizes = [128, 1024], strides = [1, 1]} : vector<1024x1024xf32> to vector<128x1024xf32>
    %slice3A_456 = vector.extract_strided_slice %add3A_451 {offsets = [512, 0], sizes = [128, 1024], strides = [1, 1]} : vector<1024x1024xf32> to vector<128x1024xf32>
    %slice3A_457 = vector.extract_strided_slice %add3A_451 {offsets = [640, 0], sizes = [128, 1024], strides = [1, 1]} : vector<1024x1024xf32> to vector<128x1024xf32>
    %slice3A_458 = vector.extract_strided_slice %add3A_451 {offsets = [768, 0], sizes = [128, 1024], strides = [1, 1]} : vector<1024x1024xf32> to vector<128x1024xf32>
    %slice3A_459 = vector.extract_strided_slice %add3A_451 {offsets = [896, 0], sizes = [128, 1024], strides = [1, 1]} : vector<1024x1024xf32> to vector<128x1024xf32>
    %reduce_min3A_460 = arith.constant dense<0x7F800000> : vector<1024xf32>
    %reduce_min3A_461 = vector.multi_reduction <minimumf>, %slice3A_452, %reduce_min3A_460 [0] : vector<128x1024xf32> to vector<1024xf32>
    %broadcast_in_dim3A_462 = vector.shape_cast %reduce_min3A_461 : vector<1024xf32> to vector<1x1024xf32>
    %reduce_min3A_463 = arith.constant dense<0x7F800000> : vector<1024xf32>
    %reduce_min3A_464 = vector.multi_reduction <minimumf>, %slice3A_453, %reduce_min3A_463 [0] : vector<128x1024xf32> to vector<1024xf32>
    %broadcast_in_dim3A_465 = vector.shape_cast %reduce_min3A_464 : vector<1024xf32> to vector<1x1024xf32>
    %reduce_min3A_466 = arith.constant dense<0x7F800000> : vector<1024xf32>
    %reduce_min3A_467 = vector.multi_reduction <minimumf>, %slice3A_454, %reduce_min3A_466 [0] : vector<128x1024xf32> to vector<1024xf32>
    %broadcast_in_dim3A_468 = vector.shape_cast %reduce_min3A_467 : vector<1024xf32> to vector<1x1024xf32>
    %reduce_min3A_469 = arith.constant dense<0x7F800000> : vector<1024xf32>
    %reduce_min3A_470 = vector.multi_reduction <minimumf>, %slice3A_455, %reduce_min3A_469 [0] : vector<128x1024xf32> to vector<1024xf32>
    %broadcast_in_dim3A_471 = vector.shape_cast %reduce_min3A_470 : vector<1024xf32> to vector<1x1024xf32>
    %reduce_min3A_472 = arith.constant dense<0x7F800000> : vector<1024xf32>
    %reduce_min3A_473 = vector.multi_reduction <minimumf>, %slice3A_456, %reduce_min3A_472 [0] : vector<128x1024xf32> to vector<1024xf32>
    %broadcast_in_dim3A_474 = vector.shape_cast %reduce_min3A_473 : vector<1024xf32> to vector<1x1024xf32>
    %reduce_min3A_475 = arith.constant dense<0x7F800000> : vector<1024xf32>
    %reduce_min3A_476 = vector.multi_reduction <minimumf>, %slice3A_457, %reduce_min3A_475 [0] : vector<128x1024xf32> to vector<1024xf32>
    %broadcast_in_dim3A_477 = vector.shape_cast %reduce_min3A_476 : vector<1024xf32> to vector<1x1024xf32>
    %reduce_min3A_478 = arith.constant dense<0x7F800000> : vector<1024xf32>
    %reduce_min3A_479 = vector.multi_reduction <minimumf>, %slice3A_458, %reduce_min3A_478 [0] : vector<128x1024xf32> to vector<1024xf32>
    %broadcast_in_dim3A_480 = vector.shape_cast %reduce_min3A_479 : vector<1024xf32> to vector<1x1024xf32>
    %reduce_min3A_481 = arith.constant dense<0x7F800000> : vector<1024xf32>
    %reduce_min3A_482 = vector.multi_reduction <minimumf>, %slice3A_459, %reduce_min3A_481 [0] : vector<128x1024xf32> to vector<1024xf32>
    %broadcast_in_dim3A_483 = vector.shape_cast %reduce_min3A_482 : vector<1024xf32> to vector<1x1024xf32>
    %min3A_484 = arith.minimumf %broadcast_in_dim3A_462, %broadcast_in_dim3A_465 : vector<1x1024xf32>
    %min3A_485 = arith.minimumf %min3A_484, %broadcast_in_dim3A_468 : vector<1x1024xf32>
    %min3A_486 = arith.minimumf %min3A_485, %broadcast_in_dim3A_471 : vector<1x1024xf32>
    %min3A_487 = arith.minimumf %min3A_486, %broadcast_in_dim3A_474 : vector<1x1024xf32>
    %min3A_488 = arith.minimumf %min3A_487, %broadcast_in_dim3A_477 : vector<1x1024xf32>
    %min3A_489 = arith.minimumf %min3A_488, %broadcast_in_dim3A_480 : vector<1x1024xf32>
    %min3A_490 = arith.minimumf %min3A_489, %broadcast_in_dim3A_483 : vector<1x1024xf32>
    %broadcast_in_dim3A_491 = arith.constant 8.000000e+00 : f32
    %broadcast_in_dim3A_492 = vector.broadcast %broadcast_in_dim3A_491 : f32 to vector<1x1024xf32>
    %eq3A_493 = arith.cmpf oeq, %broadcast_in_dim3A_483, %min3A_490 : vector<1x1024xf32>
    %jit3A_494 = arith.constant 7.000000e+00 : f32
    %broadcast_in_dim3A_495 = vector.broadcast %jit3A_494 : f32 to vector<1x1024xf32>
    %select_n3A_496 = arith.select %eq3A_493, %broadcast_in_dim3A_495, %broadcast_in_dim3A_492 : vector<1x1024xi1>, vector<1x1024xf32>
    %eq3A_497 = arith.cmpf oeq, %broadcast_in_dim3A_480, %min3A_490 : vector<1x1024xf32>
    %jit3A_498 = arith.constant 6.000000e+00 : f32
    %broadcast_in_dim3A_499 = vector.broadcast %jit3A_498 : f32 to vector<1x1024xf32>
    %select_n3A_500 = arith.select %eq3A_497, %broadcast_in_dim3A_499, %select_n3A_496 : vector<1x1024xi1>, vector<1x1024xf32>
    %eq3A_501 = arith.cmpf oeq, %broadcast_in_dim3A_477, %min3A_490 : vector<1x1024xf32>
    %jit3A_502 = arith.constant 5.000000e+00 : f32
    %broadcast_in_dim3A_503 = vector.broadcast %jit3A_502 : f32 to vector<1x1024xf32>
    %select_n3A_504 = arith.select %eq3A_501, %broadcast_in_dim3A_503, %select_n3A_500 : vector<1x1024xi1>, vector<1x1024xf32>
    %eq3A_505 = arith.cmpf oeq, %broadcast_in_dim3A_474, %min3A_490 : vector<1x1024xf32>
    %jit3A_506 = arith.constant 4.000000e+00 : f32
    %broadcast_in_dim3A_507 = vector.broadcast %jit3A_506 : f32 to vector<1x1024xf32>
    %select_n3A_508 = arith.select %eq3A_505, %broadcast_in_dim3A_507, %select_n3A_504 : vector<1x1024xi1>, vector<1x1024xf32>
    %eq3A_509 = arith.cmpf oeq, %broadcast_in_dim3A_471, %min3A_490 : vector<1x1024xf32>
    %jit3A_510 = arith.constant 3.000000e+00 : f32
    %broadcast_in_dim3A_511 = vector.broadcast %jit3A_510 : f32 to vector<1x1024xf32>
    %select_n3A_512 = arith.select %eq3A_509, %broadcast_in_dim3A_511, %select_n3A_508 : vector<1x1024xi1>, vector<1x1024xf32>
    %eq3A_513 = arith.cmpf oeq, %broadcast_in_dim3A_468, %min3A_490 : vector<1x1024xf32>
    %jit3A_514 = arith.constant 2.000000e+00 : f32
    %broadcast_in_dim3A_515 = vector.broadcast %jit3A_514 : f32 to vector<1x1024xf32>
    %select_n3A_516 = arith.select %eq3A_513, %broadcast_in_dim3A_515, %select_n3A_512 : vector<1x1024xi1>, vector<1x1024xf32>
    %eq3A_517 = arith.cmpf oeq, %broadcast_in_dim3A_465, %min3A_490 : vector<1x1024xf32>
    %jit3A_518 = arith.constant 1.000000e+00 : f32
    %broadcast_in_dim3A_519 = vector.broadcast %jit3A_518 : f32 to vector<1x1024xf32>
    %select_n3A_520 = arith.select %eq3A_517, %broadcast_in_dim3A_519, %select_n3A_516 : vector<1x1024xi1>, vector<1x1024xf32>
    %eq3A_521 = arith.cmpf oeq, %broadcast_in_dim3A_462, %min3A_490 : vector<1x1024xf32>
    %jit3A_522 = arith.constant 0.000000e+00 : f32
    %broadcast_in_dim3A_523 = vector.broadcast %jit3A_522 : f32 to vector<1x1024xf32>
    %select_n3A_524 = arith.select %eq3A_521, %broadcast_in_dim3A_523, %select_n3A_520 : vector<1x1024xi1>, vector<1x1024xf32>
    %eq3A_525 = arith.constant 6.000000e+00 : f32
    %eq3A_526 = vector.broadcast %eq3A_525 : f32 to vector<1x1024xf32>
    %eq3A_527 = arith.cmpf oeq, %select_n3A_524, %eq3A_526 : vector<1x1024xf32>
    %broadcast_in_dim3A_528 = vector.shape_cast %eq3A_527 : vector<1x1024xi1> to vector<1x1024xi1>
    %broadcast_in_dim3A_529 = vector.broadcast %broadcast_in_dim3A_528 : vector<1x1024xi1> to vector<128x1024xi1>
    %select_n3A_530 = arith.select %broadcast_in_dim3A_529, %slice3A_458, %slice3A_459 : vector<128x1024xi1>, vector<128x1024xf32>
    %eq3A_531 = arith.constant 5.000000e+00 : f32
    %eq3A_532 = vector.broadcast %eq3A_531 : f32 to vector<1x1024xf32>
    %eq3A_533 = arith.cmpf oeq, %select_n3A_524, %eq3A_532 : vector<1x1024xf32>
    %broadcast_in_dim3A_534 = vector.shape_cast %eq3A_533 : vector<1x1024xi1> to vector<1x1024xi1>
    %broadcast_in_dim3A_535 = vector.broadcast %broadcast_in_dim3A_534 : vector<1x1024xi1> to vector<128x1024xi1>
    %select_n3A_536 = arith.select %broadcast_in_dim3A_535, %slice3A_457, %select_n3A_530 : vector<128x1024xi1>, vector<128x1024xf32>
    %eq3A_537 = arith.constant 4.000000e+00 : f32
    %eq3A_538 = vector.broadcast %eq3A_537 : f32 to vector<1x1024xf32>
    %eq3A_539 = arith.cmpf oeq, %select_n3A_524, %eq3A_538 : vector<1x1024xf32>
    %broadcast_in_dim3A_540 = vector.shape_cast %eq3A_539 : vector<1x1024xi1> to vector<1x1024xi1>
    %broadcast_in_dim3A_541 = vector.broadcast %broadcast_in_dim3A_540 : vector<1x1024xi1> to vector<128x1024xi1>
    %select_n3A_542 = arith.select %broadcast_in_dim3A_541, %slice3A_456, %select_n3A_536 : vector<128x1024xi1>, vector<128x1024xf32>
    %eq3A_543 = arith.constant 3.000000e+00 : f32
    %eq3A_544 = vector.broadcast %eq3A_543 : f32 to vector<1x1024xf32>
    %eq3A_545 = arith.cmpf oeq, %select_n3A_524, %eq3A_544 : vector<1x1024xf32>
    %broadcast_in_dim3A_546 = vector.shape_cast %eq3A_545 : vector<1x1024xi1> to vector<1x1024xi1>
    %broadcast_in_dim3A_547 = vector.broadcast %broadcast_in_dim3A_546 : vector<1x1024xi1> to vector<128x1024xi1>
    %select_n3A_548 = arith.select %broadcast_in_dim3A_547, %slice3A_455, %select_n3A_542 : vector<128x1024xi1>, vector<128x1024xf32>
    %eq3A_549 = arith.constant 2.000000e+00 : f32
    %eq3A_550 = vector.broadcast %eq3A_549 : f32 to vector<1x1024xf32>
    %eq3A_551 = arith.cmpf oeq, %select_n3A_524, %eq3A_550 : vector<1x1024xf32>
    %broadcast_in_dim3A_552 = vector.shape_cast %eq3A_551 : vector<1x1024xi1> to vector<1x1024xi1>
    %broadcast_in_dim3A_553 = vector.broadcast %broadcast_in_dim3A_552 : vector<1x1024xi1> to vector<128x1024xi1>
    %select_n3A_554 = arith.select %broadcast_in_dim3A_553, %slice3A_454, %select_n3A_548 : vector<128x1024xi1>, vector<128x1024xf32>
    %eq3A_555 = arith.constant 1.000000e+00 : f32
    %eq3A_556 = vector.broadcast %eq3A_555 : f32 to vector<1x1024xf32>
    %eq3A_557 = arith.cmpf oeq, %select_n3A_524, %eq3A_556 : vector<1x1024xf32>
    %broadcast_in_dim3A_558 = vector.shape_cast %eq3A_557 : vector<1x1024xi1> to vector<1x1024xi1>
    %broadcast_in_dim3A_559 = vector.broadcast %broadcast_in_dim3A_558 : vector<1x1024xi1> to vector<128x1024xi1>
    %select_n3A_560 = arith.select %broadcast_in_dim3A_559, %slice3A_453, %select_n3A_554 : vector<128x1024xi1>, vector<128x1024xf32>
    %eq3A_561 = arith.constant 0.000000e+00 : f32
    %eq3A_562 = vector.broadcast %eq3A_561 : f32 to vector<1x1024xf32>
    %eq3A_563 = arith.cmpf oeq, %select_n3A_524, %eq3A_562 : vector<1x1024xf32>
    %broadcast_in_dim3A_564 = vector.shape_cast %eq3A_563 : vector<1x1024xi1> to vector<1x1024xi1>
    %broadcast_in_dim3A_565 = vector.broadcast %broadcast_in_dim3A_564 : vector<1x1024xi1> to vector<128x1024xi1>
    %select_n3A_566 = arith.select %broadcast_in_dim3A_565, %slice3A_452, %select_n3A_560 : vector<128x1024xi1>, vector<128x1024xf32>
    %eq3A_567 = vector.broadcast %min3A_490 : vector<1x1024xf32> to vector<128x1024xf32>
    %eq3A_568 = arith.cmpf oeq, %select_n3A_566, %eq3A_567 : vector<128x1024xf32>
    %jit3A_569 = arith.constant 8.192000e+03 : f32
    %broadcast_in_dim3A_570 = vector.broadcast %jit3A_569 : f32 to vector<128x1024xf32>
    %select_n3A_571 = arith.select %eq3A_568, %convert_element_type3A, %broadcast_in_dim3A_570 : vector<128x1024xi1>, vector<128x1024xf32>
    %reduce_min3A_572 = arith.constant dense<0x7F800000> : vector<1024xf32>
    %reduce_min3A_573 = vector.multi_reduction <minimumf>, %select_n3A_571, %reduce_min3A_572 [0] : vector<128x1024xf32> to vector<1024xf32>
    %broadcast_in_dim3A_574 = vector.shape_cast %reduce_min3A_573 : vector<1024xf32> to vector<1x1024xf32>
    %mul3A_575 = arith.constant 1.280000e+02 : f32
    %mul3A_576 = vector.broadcast %mul3A_575 : f32 to vector<1x1024xf32>
    %mul3A_577 = arith.mulf %select_n3A_524, %mul3A_576 : vector<1x1024xf32>
    %add3A_578 = arith.addf %broadcast_in_dim3A_574, %mul3A_577 : vector<1x1024xf32>
    %add3A_579 = arith.constant 3.072000e+03 : f32
    %add3A_580 = vector.broadcast %add3A_579 : f32 to vector<1x1024xf32>
    %add3A_581 = arith.addf %add3A_578, %add3A_580 : vector<1x1024xf32>
    %lt3A_582 = arith.cmpf olt, %min3A_490, %select_n3A_438 : vector<1x1024xf32>
    %select_n3A_583 = arith.select %lt3A_582, %min3A_490, %select_n3A_438 : vector<1x1024xi1>, vector<1x1024xf32>
    %select_n3A_584 = arith.select %lt3A_582, %add3A_581, %select_n3A_439 : vector<1x1024xi1>, vector<1x1024xf32>
    %get3A_585 = arith.constant 4096 : index
    %get3A_586 = arith.constant 0 : index
    %get3A_587 = vector.load %arg4[%get3A_585, %get3A_586] : memref<8192x256xf32, #tpu.memory_space<vmem>>, vector<1024x256xf32>
    %dot_general3A_588 = arith.constant dense<0.000000e+00> : vector<1024x1024xf32>
    %dot_general3A_589 = tpu.matmul %get3A_587, %mul3A_5, %dot_general3A_588 {dimension_numbers = #tpu.dot_dimension_numbers<[1], [0], [0], [1], [0, 0, 1, 1], [], []>, transpose_lhs_hint = false} : vector<1024x256xf32>, vector<256x1024xf32>, vector<1024x1024xf32> -> vector<1024x1024xf32>
    %get3A_590 = arith.constant 4096 : index
    %get3A_591 = arith.constant 0 : index
    %get3A_592 = vector.load %arg2[%get3A_590, %get3A_591] : memref<8192x1xf32, #tpu.memory_space<vmem>>, vector<1024x1xf32>
    %add3A_593 = vector.broadcast %get3A_10 : vector<1x1024xf32> to vector<1024x1024xf32>
    %add3A_594 = arith.addf %add3A_593, %dot_general3A_589 : vector<1024x1024xf32>
    %add3A_595 = vector.broadcast %get3A_592 : vector<1024x1xf32> to vector<1024x1024xf32>
    %add3A_596 = arith.addf %add3A_594, %add3A_595 : vector<1024x1024xf32>
    %slice3A_597 = vector.extract_strided_slice %add3A_596 {offsets = [0, 0], sizes = [128, 1024], strides = [1, 1]} : vector<1024x1024xf32> to vector<128x1024xf32>
    %slice3A_598 = vector.extract_strided_slice %add3A_596 {offsets = [128, 0], sizes = [128, 1024], strides = [1, 1]} : vector<1024x1024xf32> to vector<128x1024xf32>
    %slice3A_599 = vector.extract_strided_slice %add3A_596 {offsets = [256, 0], sizes = [128, 1024], strides = [1, 1]} : vector<1024x1024xf32> to vector<128x1024xf32>
    %slice3A_600 = vector.extract_strided_slice %add3A_596 {offsets = [384, 0], sizes = [128, 1024], strides = [1, 1]} : vector<1024x1024xf32> to vector<128x1024xf32>
    %slice3A_601 = vector.extract_strided_slice %add3A_596 {offsets = [512, 0], sizes = [128, 1024], strides = [1, 1]} : vector<1024x1024xf32> to vector<128x1024xf32>
    %slice3A_602 = vector.extract_strided_slice %add3A_596 {offsets = [640, 0], sizes = [128, 1024], strides = [1, 1]} : vector<1024x1024xf32> to vector<128x1024xf32>
    %slice3A_603 = vector.extract_strided_slice %add3A_596 {offsets = [768, 0], sizes = [128, 1024], strides = [1, 1]} : vector<1024x1024xf32> to vector<128x1024xf32>
    %slice3A_604 = vector.extract_strided_slice %add3A_596 {offsets = [896, 0], sizes = [128, 1024], strides = [1, 1]} : vector<1024x1024xf32> to vector<128x1024xf32>
    %reduce_min3A_605 = arith.constant dense<0x7F800000> : vector<1024xf32>
    %reduce_min3A_606 = vector.multi_reduction <minimumf>, %slice3A_597, %reduce_min3A_605 [0] : vector<128x1024xf32> to vector<1024xf32>
    %broadcast_in_dim3A_607 = vector.shape_cast %reduce_min3A_606 : vector<1024xf32> to vector<1x1024xf32>
    %reduce_min3A_608 = arith.constant dense<0x7F800000> : vector<1024xf32>
    %reduce_min3A_609 = vector.multi_reduction <minimumf>, %slice3A_598, %reduce_min3A_608 [0] : vector<128x1024xf32> to vector<1024xf32>
    %broadcast_in_dim3A_610 = vector.shape_cast %reduce_min3A_609 : vector<1024xf32> to vector<1x1024xf32>
    %reduce_min3A_611 = arith.constant dense<0x7F800000> : vector<1024xf32>
    %reduce_min3A_612 = vector.multi_reduction <minimumf>, %slice3A_599, %reduce_min3A_611 [0] : vector<128x1024xf32> to vector<1024xf32>
    %broadcast_in_dim3A_613 = vector.shape_cast %reduce_min3A_612 : vector<1024xf32> to vector<1x1024xf32>
    %reduce_min3A_614 = arith.constant dense<0x7F800000> : vector<1024xf32>
    %reduce_min3A_615 = vector.multi_reduction <minimumf>, %slice3A_600, %reduce_min3A_614 [0] : vector<128x1024xf32> to vector<1024xf32>
    %broadcast_in_dim3A_616 = vector.shape_cast %reduce_min3A_615 : vector<1024xf32> to vector<1x1024xf32>
    %reduce_min3A_617 = arith.constant dense<0x7F800000> : vector<1024xf32>
    %reduce_min3A_618 = vector.multi_reduction <minimumf>, %slice3A_601, %reduce_min3A_617 [0] : vector<128x1024xf32> to vector<1024xf32>
    %broadcast_in_dim3A_619 = vector.shape_cast %reduce_min3A_618 : vector<1024xf32> to vector<1x1024xf32>
    %reduce_min3A_620 = arith.constant dense<0x7F800000> : vector<1024xf32>
    %reduce_min3A_621 = vector.multi_reduction <minimumf>, %slice3A_602, %reduce_min3A_620 [0] : vector<128x1024xf32> to vector<1024xf32>
    %broadcast_in_dim3A_622 = vector.shape_cast %reduce_min3A_621 : vector<1024xf32> to vector<1x1024xf32>
    %reduce_min3A_623 = arith.constant dense<0x7F800000> : vector<1024xf32>
    %reduce_min3A_624 = vector.multi_reduction <minimumf>, %slice3A_603, %reduce_min3A_623 [0] : vector<128x1024xf32> to vector<1024xf32>
    %broadcast_in_dim3A_625 = vector.shape_cast %reduce_min3A_624 : vector<1024xf32> to vector<1x1024xf32>
    %reduce_min3A_626 = arith.constant dense<0x7F800000> : vector<1024xf32>
    %reduce_min3A_627 = vector.multi_reduction <minimumf>, %slice3A_604, %reduce_min3A_626 [0] : vector<128x1024xf32> to vector<1024xf32>
    %broadcast_in_dim3A_628 = vector.shape_cast %reduce_min3A_627 : vector<1024xf32> to vector<1x1024xf32>
    %min3A_629 = arith.minimumf %broadcast_in_dim3A_607, %broadcast_in_dim3A_610 : vector<1x1024xf32>
    %min3A_630 = arith.minimumf %min3A_629, %broadcast_in_dim3A_613 : vector<1x1024xf32>
    %min3A_631 = arith.minimumf %min3A_630, %broadcast_in_dim3A_616 : vector<1x1024xf32>
    %min3A_632 = arith.minimumf %min3A_631, %broadcast_in_dim3A_619 : vector<1x1024xf32>
    %min3A_633 = arith.minimumf %min3A_632, %broadcast_in_dim3A_622 : vector<1x1024xf32>
    %min3A_634 = arith.minimumf %min3A_633, %broadcast_in_dim3A_625 : vector<1x1024xf32>
    %min3A_635 = arith.minimumf %min3A_634, %broadcast_in_dim3A_628 : vector<1x1024xf32>
    %broadcast_in_dim3A_636 = arith.constant 8.000000e+00 : f32
    %broadcast_in_dim3A_637 = vector.broadcast %broadcast_in_dim3A_636 : f32 to vector<1x1024xf32>
    %eq3A_638 = arith.cmpf oeq, %broadcast_in_dim3A_628, %min3A_635 : vector<1x1024xf32>
    %jit3A_639 = arith.constant 7.000000e+00 : f32
    %broadcast_in_dim3A_640 = vector.broadcast %jit3A_639 : f32 to vector<1x1024xf32>
    %select_n3A_641 = arith.select %eq3A_638, %broadcast_in_dim3A_640, %broadcast_in_dim3A_637 : vector<1x1024xi1>, vector<1x1024xf32>
    %eq3A_642 = arith.cmpf oeq, %broadcast_in_dim3A_625, %min3A_635 : vector<1x1024xf32>
    %jit3A_643 = arith.constant 6.000000e+00 : f32
    %broadcast_in_dim3A_644 = vector.broadcast %jit3A_643 : f32 to vector<1x1024xf32>
    %select_n3A_645 = arith.select %eq3A_642, %broadcast_in_dim3A_644, %select_n3A_641 : vector<1x1024xi1>, vector<1x1024xf32>
    %eq3A_646 = arith.cmpf oeq, %broadcast_in_dim3A_622, %min3A_635 : vector<1x1024xf32>
    %jit3A_647 = arith.constant 5.000000e+00 : f32
    %broadcast_in_dim3A_648 = vector.broadcast %jit3A_647 : f32 to vector<1x1024xf32>
    %select_n3A_649 = arith.select %eq3A_646, %broadcast_in_dim3A_648, %select_n3A_645 : vector<1x1024xi1>, vector<1x1024xf32>
    %eq3A_650 = arith.cmpf oeq, %broadcast_in_dim3A_619, %min3A_635 : vector<1x1024xf32>
    %jit3A_651 = arith.constant 4.000000e+00 : f32
    %broadcast_in_dim3A_652 = vector.broadcast %jit3A_651 : f32 to vector<1x1024xf32>
    %select_n3A_653 = arith.select %eq3A_650, %broadcast_in_dim3A_652, %select_n3A_649 : vector<1x1024xi1>, vector<1x1024xf32>
    %eq3A_654 = arith.cmpf oeq, %broadcast_in_dim3A_616, %min3A_635 : vector<1x1024xf32>
    %jit3A_655 = arith.constant 3.000000e+00 : f32
    %broadcast_in_dim3A_656 = vector.broadcast %jit3A_655 : f32 to vector<1x1024xf32>
    %select_n3A_657 = arith.select %eq3A_654, %broadcast_in_dim3A_656, %select_n3A_653 : vector<1x1024xi1>, vector<1x1024xf32>
    %eq3A_658 = arith.cmpf oeq, %broadcast_in_dim3A_613, %min3A_635 : vector<1x1024xf32>
    %jit3A_659 = arith.constant 2.000000e+00 : f32
    %broadcast_in_dim3A_660 = vector.broadcast %jit3A_659 : f32 to vector<1x1024xf32>
    %select_n3A_661 = arith.select %eq3A_658, %broadcast_in_dim3A_660, %select_n3A_657 : vector<1x1024xi1>, vector<1x1024xf32>
    %eq3A_662 = arith.cmpf oeq, %broadcast_in_dim3A_610, %min3A_635 : vector<1x1024xf32>
    %jit3A_663 = arith.constant 1.000000e+00 : f32
    %broadcast_in_dim3A_664 = vector.broadcast %jit3A_663 : f32 to vector<1x1024xf32>
    %select_n3A_665 = arith.select %eq3A_662, %broadcast_in_dim3A_664, %select_n3A_661 : vector<1x1024xi1>, vector<1x1024xf32>
    %eq3A_666 = arith.cmpf oeq, %broadcast_in_dim3A_607, %min3A_635 : vector<1x1024xf32>
    %jit3A_667 = arith.constant 0.000000e+00 : f32
    %broadcast_in_dim3A_668 = vector.broadcast %jit3A_667 : f32 to vector<1x1024xf32>
    %select_n3A_669 = arith.select %eq3A_666, %broadcast_in_dim3A_668, %select_n3A_665 : vector<1x1024xi1>, vector<1x1024xf32>
    %eq3A_670 = arith.constant 6.000000e+00 : f32
    %eq3A_671 = vector.broadcast %eq3A_670 : f32 to vector<1x1024xf32>
    %eq3A_672 = arith.cmpf oeq, %select_n3A_669, %eq3A_671 : vector<1x1024xf32>
    %broadcast_in_dim3A_673 = vector.shape_cast %eq3A_672 : vector<1x1024xi1> to vector<1x1024xi1>
    %broadcast_in_dim3A_674 = vector.broadcast %broadcast_in_dim3A_673 : vector<1x1024xi1> to vector<128x1024xi1>
    %select_n3A_675 = arith.select %broadcast_in_dim3A_674, %slice3A_603, %slice3A_604 : vector<128x1024xi1>, vector<128x1024xf32>
    %eq3A_676 = arith.constant 5.000000e+00 : f32
    %eq3A_677 = vector.broadcast %eq3A_676 : f32 to vector<1x1024xf32>
    %eq3A_678 = arith.cmpf oeq, %select_n3A_669, %eq3A_677 : vector<1x1024xf32>
    %broadcast_in_dim3A_679 = vector.shape_cast %eq3A_678 : vector<1x1024xi1> to vector<1x1024xi1>
    %broadcast_in_dim3A_680 = vector.broadcast %broadcast_in_dim3A_679 : vector<1x1024xi1> to vector<128x1024xi1>
    %select_n3A_681 = arith.select %broadcast_in_dim3A_680, %slice3A_602, %select_n3A_675 : vector<128x1024xi1>, vector<128x1024xf32>
    %eq3A_682 = arith.constant 4.000000e+00 : f32
    %eq3A_683 = vector.broadcast %eq3A_682 : f32 to vector<1x1024xf32>
    %eq3A_684 = arith.cmpf oeq, %select_n3A_669, %eq3A_683 : vector<1x1024xf32>
    %broadcast_in_dim3A_685 = vector.shape_cast %eq3A_684 : vector<1x1024xi1> to vector<1x1024xi1>
    %broadcast_in_dim3A_686 = vector.broadcast %broadcast_in_dim3A_685 : vector<1x1024xi1> to vector<128x1024xi1>
    %select_n3A_687 = arith.select %broadcast_in_dim3A_686, %slice3A_601, %select_n3A_681 : vector<128x1024xi1>, vector<128x1024xf32>
    %eq3A_688 = arith.constant 3.000000e+00 : f32
    %eq3A_689 = vector.broadcast %eq3A_688 : f32 to vector<1x1024xf32>
    %eq3A_690 = arith.cmpf oeq, %select_n3A_669, %eq3A_689 : vector<1x1024xf32>
    %broadcast_in_dim3A_691 = vector.shape_cast %eq3A_690 : vector<1x1024xi1> to vector<1x1024xi1>
    %broadcast_in_dim3A_692 = vector.broadcast %broadcast_in_dim3A_691 : vector<1x1024xi1> to vector<128x1024xi1>
    %select_n3A_693 = arith.select %broadcast_in_dim3A_692, %slice3A_600, %select_n3A_687 : vector<128x1024xi1>, vector<128x1024xf32>
    %eq3A_694 = arith.constant 2.000000e+00 : f32
    %eq3A_695 = vector.broadcast %eq3A_694 : f32 to vector<1x1024xf32>
    %eq3A_696 = arith.cmpf oeq, %select_n3A_669, %eq3A_695 : vector<1x1024xf32>
    %broadcast_in_dim3A_697 = vector.shape_cast %eq3A_696 : vector<1x1024xi1> to vector<1x1024xi1>
    %broadcast_in_dim3A_698 = vector.broadcast %broadcast_in_dim3A_697 : vector<1x1024xi1> to vector<128x1024xi1>
    %select_n3A_699 = arith.select %broadcast_in_dim3A_698, %slice3A_599, %select_n3A_693 : vector<128x1024xi1>, vector<128x1024xf32>
    %eq3A_700 = arith.constant 1.000000e+00 : f32
    %eq3A_701 = vector.broadcast %eq3A_700 : f32 to vector<1x1024xf32>
    %eq3A_702 = arith.cmpf oeq, %select_n3A_669, %eq3A_701 : vector<1x1024xf32>
    %broadcast_in_dim3A_703 = vector.shape_cast %eq3A_702 : vector<1x1024xi1> to vector<1x1024xi1>
    %broadcast_in_dim3A_704 = vector.broadcast %broadcast_in_dim3A_703 : vector<1x1024xi1> to vector<128x1024xi1>
    %select_n3A_705 = arith.select %broadcast_in_dim3A_704, %slice3A_598, %select_n3A_699 : vector<128x1024xi1>, vector<128x1024xf32>
    %eq3A_706 = arith.constant 0.000000e+00 : f32
    %eq3A_707 = vector.broadcast %eq3A_706 : f32 to vector<1x1024xf32>
    %eq3A_708 = arith.cmpf oeq, %select_n3A_669, %eq3A_707 : vector<1x1024xf32>
    %broadcast_in_dim3A_709 = vector.shape_cast %eq3A_708 : vector<1x1024xi1> to vector<1x1024xi1>
    %broadcast_in_dim3A_710 = vector.broadcast %broadcast_in_dim3A_709 : vector<1x1024xi1> to vector<128x1024xi1>
    %select_n3A_711 = arith.select %broadcast_in_dim3A_710, %slice3A_597, %select_n3A_705 : vector<128x1024xi1>, vector<128x1024xf32>
    %eq3A_712 = vector.broadcast %min3A_635 : vector<1x1024xf32> to vector<128x1024xf32>
    %eq3A_713 = arith.cmpf oeq, %select_n3A_711, %eq3A_712 : vector<128x1024xf32>
    %jit3A_714 = arith.constant 8.192000e+03 : f32
    %broadcast_in_dim3A_715 = vector.broadcast %jit3A_714 : f32 to vector<128x1024xf32>
    %select_n3A_716 = arith.select %eq3A_713, %convert_element_type3A, %broadcast_in_dim3A_715 : vector<128x1024xi1>, vector<128x1024xf32>
    %reduce_min3A_717 = arith.constant dense<0x7F800000> : vector<1024xf32>
    %reduce_min3A_718 = vector.multi_reduction <minimumf>, %select_n3A_716, %reduce_min3A_717 [0] : vector<128x1024xf32> to vector<1024xf32>
    %broadcast_in_dim3A_719 = vector.shape_cast %reduce_min3A_718 : vector<1024xf32> to vector<1x1024xf32>
    %mul3A_720 = arith.constant 1.280000e+02 : f32
    %mul3A_721 = vector.broadcast %mul3A_720 : f32 to vector<1x1024xf32>
    %mul3A_722 = arith.mulf %select_n3A_669, %mul3A_721 : vector<1x1024xf32>
    %add3A_723 = arith.addf %broadcast_in_dim3A_719, %mul3A_722 : vector<1x1024xf32>
    %add3A_724 = arith.constant 4.096000e+03 : f32
    %add3A_725 = vector.broadcast %add3A_724 : f32 to vector<1x1024xf32>
    %add3A_726 = arith.addf %add3A_723, %add3A_725 : vector<1x1024xf32>
    %lt3A_727 = arith.cmpf olt, %min3A_635, %select_n3A_583 : vector<1x1024xf32>
    %select_n3A_728 = arith.select %lt3A_727, %min3A_635, %select_n3A_583 : vector<1x1024xi1>, vector<1x1024xf32>
    %select_n3A_729 = arith.select %lt3A_727, %add3A_726, %select_n3A_584 : vector<1x1024xi1>, vector<1x1024xf32>
    %get3A_730 = arith.constant 5120 : index
    %get3A_731 = arith.constant 0 : index
    %get3A_732 = vector.load %arg4[%get3A_730, %get3A_731] : memref<8192x256xf32, #tpu.memory_space<vmem>>, vector<1024x256xf32>
    %dot_general3A_733 = arith.constant dense<0.000000e+00> : vector<1024x1024xf32>
    %dot_general3A_734 = tpu.matmul %get3A_732, %mul3A_5, %dot_general3A_733 {dimension_numbers = #tpu.dot_dimension_numbers<[1], [0], [0], [1], [0, 0, 1, 1], [], []>, transpose_lhs_hint = false} : vector<1024x256xf32>, vector<256x1024xf32>, vector<1024x1024xf32> -> vector<1024x1024xf32>
    %get3A_735 = arith.constant 5120 : index
    %get3A_736 = arith.constant 0 : index
    %get3A_737 = vector.load %arg2[%get3A_735, %get3A_736] : memref<8192x1xf32, #tpu.memory_space<vmem>>, vector<1024x1xf32>
    %add3A_738 = vector.broadcast %get3A_10 : vector<1x1024xf32> to vector<1024x1024xf32>
    %add3A_739 = arith.addf %add3A_738, %dot_general3A_734 : vector<1024x1024xf32>
    %add3A_740 = vector.broadcast %get3A_737 : vector<1024x1xf32> to vector<1024x1024xf32>
    %add3A_741 = arith.addf %add3A_739, %add3A_740 : vector<1024x1024xf32>
    %slice3A_742 = vector.extract_strided_slice %add3A_741 {offsets = [0, 0], sizes = [128, 1024], strides = [1, 1]} : vector<1024x1024xf32> to vector<128x1024xf32>
    %slice3A_743 = vector.extract_strided_slice %add3A_741 {offsets = [128, 0], sizes = [128, 1024], strides = [1, 1]} : vector<1024x1024xf32> to vector<128x1024xf32>
    %slice3A_744 = vector.extract_strided_slice %add3A_741 {offsets = [256, 0], sizes = [128, 1024], strides = [1, 1]} : vector<1024x1024xf32> to vector<128x1024xf32>
    %slice3A_745 = vector.extract_strided_slice %add3A_741 {offsets = [384, 0], sizes = [128, 1024], strides = [1, 1]} : vector<1024x1024xf32> to vector<128x1024xf32>
    %slice3A_746 = vector.extract_strided_slice %add3A_741 {offsets = [512, 0], sizes = [128, 1024], strides = [1, 1]} : vector<1024x1024xf32> to vector<128x1024xf32>
    %slice3A_747 = vector.extract_strided_slice %add3A_741 {offsets = [640, 0], sizes = [128, 1024], strides = [1, 1]} : vector<1024x1024xf32> to vector<128x1024xf32>
    %slice3A_748 = vector.extract_strided_slice %add3A_741 {offsets = [768, 0], sizes = [128, 1024], strides = [1, 1]} : vector<1024x1024xf32> to vector<128x1024xf32>
    %slice3A_749 = vector.extract_strided_slice %add3A_741 {offsets = [896, 0], sizes = [128, 1024], strides = [1, 1]} : vector<1024x1024xf32> to vector<128x1024xf32>
    %reduce_min3A_750 = arith.constant dense<0x7F800000> : vector<1024xf32>
    %reduce_min3A_751 = vector.multi_reduction <minimumf>, %slice3A_742, %reduce_min3A_750 [0] : vector<128x1024xf32> to vector<1024xf32>
    %broadcast_in_dim3A_752 = vector.shape_cast %reduce_min3A_751 : vector<1024xf32> to vector<1x1024xf32>
    %reduce_min3A_753 = arith.constant dense<0x7F800000> : vector<1024xf32>
    %reduce_min3A_754 = vector.multi_reduction <minimumf>, %slice3A_743, %reduce_min3A_753 [0] : vector<128x1024xf32> to vector<1024xf32>
    %broadcast_in_dim3A_755 = vector.shape_cast %reduce_min3A_754 : vector<1024xf32> to vector<1x1024xf32>
    %reduce_min3A_756 = arith.constant dense<0x7F800000> : vector<1024xf32>
    %reduce_min3A_757 = vector.multi_reduction <minimumf>, %slice3A_744, %reduce_min3A_756 [0] : vector<128x1024xf32> to vector<1024xf32>
    %broadcast_in_dim3A_758 = vector.shape_cast %reduce_min3A_757 : vector<1024xf32> to vector<1x1024xf32>
    %reduce_min3A_759 = arith.constant dense<0x7F800000> : vector<1024xf32>
    %reduce_min3A_760 = vector.multi_reduction <minimumf>, %slice3A_745, %reduce_min3A_759 [0] : vector<128x1024xf32> to vector<1024xf32>
    %broadcast_in_dim3A_761 = vector.shape_cast %reduce_min3A_760 : vector<1024xf32> to vector<1x1024xf32>
    %reduce_min3A_762 = arith.constant dense<0x7F800000> : vector<1024xf32>
    %reduce_min3A_763 = vector.multi_reduction <minimumf>, %slice3A_746, %reduce_min3A_762 [0] : vector<128x1024xf32> to vector<1024xf32>
    %broadcast_in_dim3A_764 = vector.shape_cast %reduce_min3A_763 : vector<1024xf32> to vector<1x1024xf32>
    %reduce_min3A_765 = arith.constant dense<0x7F800000> : vector<1024xf32>
    %reduce_min3A_766 = vector.multi_reduction <minimumf>, %slice3A_747, %reduce_min3A_765 [0] : vector<128x1024xf32> to vector<1024xf32>
    %broadcast_in_dim3A_767 = vector.shape_cast %reduce_min3A_766 : vector<1024xf32> to vector<1x1024xf32>
    %reduce_min3A_768 = arith.constant dense<0x7F800000> : vector<1024xf32>
    %reduce_min3A_769 = vector.multi_reduction <minimumf>, %slice3A_748, %reduce_min3A_768 [0] : vector<128x1024xf32> to vector<1024xf32>
    %broadcast_in_dim3A_770 = vector.shape_cast %reduce_min3A_769 : vector<1024xf32> to vector<1x1024xf32>
    %reduce_min3A_771 = arith.constant dense<0x7F800000> : vector<1024xf32>
    %reduce_min3A_772 = vector.multi_reduction <minimumf>, %slice3A_749, %reduce_min3A_771 [0] : vector<128x1024xf32> to vector<1024xf32>
    %broadcast_in_dim3A_773 = vector.shape_cast %reduce_min3A_772 : vector<1024xf32> to vector<1x1024xf32>
    %min3A_774 = arith.minimumf %broadcast_in_dim3A_752, %broadcast_in_dim3A_755 : vector<1x1024xf32>
    %min3A_775 = arith.minimumf %min3A_774, %broadcast_in_dim3A_758 : vector<1x1024xf32>
    %min3A_776 = arith.minimumf %min3A_775, %broadcast_in_dim3A_761 : vector<1x1024xf32>
    %min3A_777 = arith.minimumf %min3A_776, %broadcast_in_dim3A_764 : vector<1x1024xf32>
    %min3A_778 = arith.minimumf %min3A_777, %broadcast_in_dim3A_767 : vector<1x1024xf32>
    %min3A_779 = arith.minimumf %min3A_778, %broadcast_in_dim3A_770 : vector<1x1024xf32>
    %min3A_780 = arith.minimumf %min3A_779, %broadcast_in_dim3A_773 : vector<1x1024xf32>
    %broadcast_in_dim3A_781 = arith.constant 8.000000e+00 : f32
    %broadcast_in_dim3A_782 = vector.broadcast %broadcast_in_dim3A_781 : f32 to vector<1x1024xf32>
    %eq3A_783 = arith.cmpf oeq, %broadcast_in_dim3A_773, %min3A_780 : vector<1x1024xf32>
    %jit3A_784 = arith.constant 7.000000e+00 : f32
    %broadcast_in_dim3A_785 = vector.broadcast %jit3A_784 : f32 to vector<1x1024xf32>
    %select_n3A_786 = arith.select %eq3A_783, %broadcast_in_dim3A_785, %broadcast_in_dim3A_782 : vector<1x1024xi1>, vector<1x1024xf32>
    %eq3A_787 = arith.cmpf oeq, %broadcast_in_dim3A_770, %min3A_780 : vector<1x1024xf32>
    %jit3A_788 = arith.constant 6.000000e+00 : f32
    %broadcast_in_dim3A_789 = vector.broadcast %jit3A_788 : f32 to vector<1x1024xf32>
    %select_n3A_790 = arith.select %eq3A_787, %broadcast_in_dim3A_789, %select_n3A_786 : vector<1x1024xi1>, vector<1x1024xf32>
    %eq3A_791 = arith.cmpf oeq, %broadcast_in_dim3A_767, %min3A_780 : vector<1x1024xf32>
    %jit3A_792 = arith.constant 5.000000e+00 : f32
    %broadcast_in_dim3A_793 = vector.broadcast %jit3A_792 : f32 to vector<1x1024xf32>
    %select_n3A_794 = arith.select %eq3A_791, %broadcast_in_dim3A_793, %select_n3A_790 : vector<1x1024xi1>, vector<1x1024xf32>
    %eq3A_795 = arith.cmpf oeq, %broadcast_in_dim3A_764, %min3A_780 : vector<1x1024xf32>
    %jit3A_796 = arith.constant 4.000000e+00 : f32
    %broadcast_in_dim3A_797 = vector.broadcast %jit3A_796 : f32 to vector<1x1024xf32>
    %select_n3A_798 = arith.select %eq3A_795, %broadcast_in_dim3A_797, %select_n3A_794 : vector<1x1024xi1>, vector<1x1024xf32>
    %eq3A_799 = arith.cmpf oeq, %broadcast_in_dim3A_761, %min3A_780 : vector<1x1024xf32>
    %jit3A_800 = arith.constant 3.000000e+00 : f32
    %broadcast_in_dim3A_801 = vector.broadcast %jit3A_800 : f32 to vector<1x1024xf32>
    %select_n3A_802 = arith.select %eq3A_799, %broadcast_in_dim3A_801, %select_n3A_798 : vector<1x1024xi1>, vector<1x1024xf32>
    %eq3A_803 = arith.cmpf oeq, %broadcast_in_dim3A_758, %min3A_780 : vector<1x1024xf32>
    %jit3A_804 = arith.constant 2.000000e+00 : f32
    %broadcast_in_dim3A_805 = vector.broadcast %jit3A_804 : f32 to vector<1x1024xf32>
    %select_n3A_806 = arith.select %eq3A_803, %broadcast_in_dim3A_805, %select_n3A_802 : vector<1x1024xi1>, vector<1x1024xf32>
    %eq3A_807 = arith.cmpf oeq, %broadcast_in_dim3A_755, %min3A_780 : vector<1x1024xf32>
    %jit3A_808 = arith.constant 1.000000e+00 : f32
    %broadcast_in_dim3A_809 = vector.broadcast %jit3A_808 : f32 to vector<1x1024xf32>
    %select_n3A_810 = arith.select %eq3A_807, %broadcast_in_dim3A_809, %select_n3A_806 : vector<1x1024xi1>, vector<1x1024xf32>
    %eq3A_811 = arith.cmpf oeq, %broadcast_in_dim3A_752, %min3A_780 : vector<1x1024xf32>
    %jit3A_812 = arith.constant 0.000000e+00 : f32
    %broadcast_in_dim3A_813 = vector.broadcast %jit3A_812 : f32 to vector<1x1024xf32>
    %select_n3A_814 = arith.select %eq3A_811, %broadcast_in_dim3A_813, %select_n3A_810 : vector<1x1024xi1>, vector<1x1024xf32>
    %eq3A_815 = arith.constant 6.000000e+00 : f32
    %eq3A_816 = vector.broadcast %eq3A_815 : f32 to vector<1x1024xf32>
    %eq3A_817 = arith.cmpf oeq, %select_n3A_814, %eq3A_816 : vector<1x1024xf32>
    %broadcast_in_dim3A_818 = vector.shape_cast %eq3A_817 : vector<1x1024xi1> to vector<1x1024xi1>
    %broadcast_in_dim3A_819 = vector.broadcast %broadcast_in_dim3A_818 : vector<1x1024xi1> to vector<128x1024xi1>
    %select_n3A_820 = arith.select %broadcast_in_dim3A_819, %slice3A_748, %slice3A_749 : vector<128x1024xi1>, vector<128x1024xf32>
    %eq3A_821 = arith.constant 5.000000e+00 : f32
    %eq3A_822 = vector.broadcast %eq3A_821 : f32 to vector<1x1024xf32>
    %eq3A_823 = arith.cmpf oeq, %select_n3A_814, %eq3A_822 : vector<1x1024xf32>
    %broadcast_in_dim3A_824 = vector.shape_cast %eq3A_823 : vector<1x1024xi1> to vector<1x1024xi1>
    %broadcast_in_dim3A_825 = vector.broadcast %broadcast_in_dim3A_824 : vector<1x1024xi1> to vector<128x1024xi1>
    %select_n3A_826 = arith.select %broadcast_in_dim3A_825, %slice3A_747, %select_n3A_820 : vector<128x1024xi1>, vector<128x1024xf32>
    %eq3A_827 = arith.constant 4.000000e+00 : f32
    %eq3A_828 = vector.broadcast %eq3A_827 : f32 to vector<1x1024xf32>
    %eq3A_829 = arith.cmpf oeq, %select_n3A_814, %eq3A_828 : vector<1x1024xf32>
    %broadcast_in_dim3A_830 = vector.shape_cast %eq3A_829 : vector<1x1024xi1> to vector<1x1024xi1>
    %broadcast_in_dim3A_831 = vector.broadcast %broadcast_in_dim3A_830 : vector<1x1024xi1> to vector<128x1024xi1>
    %select_n3A_832 = arith.select %broadcast_in_dim3A_831, %slice3A_746, %select_n3A_826 : vector<128x1024xi1>, vector<128x1024xf32>
    %eq3A_833 = arith.constant 3.000000e+00 : f32
    %eq3A_834 = vector.broadcast %eq3A_833 : f32 to vector<1x1024xf32>
    %eq3A_835 = arith.cmpf oeq, %select_n3A_814, %eq3A_834 : vector<1x1024xf32>
    %broadcast_in_dim3A_836 = vector.shape_cast %eq3A_835 : vector<1x1024xi1> to vector<1x1024xi1>
    %broadcast_in_dim3A_837 = vector.broadcast %broadcast_in_dim3A_836 : vector<1x1024xi1> to vector<128x1024xi1>
    %select_n3A_838 = arith.select %broadcast_in_dim3A_837, %slice3A_745, %select_n3A_832 : vector<128x1024xi1>, vector<128x1024xf32>
    %eq3A_839 = arith.constant 2.000000e+00 : f32
    %eq3A_840 = vector.broadcast %eq3A_839 : f32 to vector<1x1024xf32>
    %eq3A_841 = arith.cmpf oeq, %select_n3A_814, %eq3A_840 : vector<1x1024xf32>
    %broadcast_in_dim3A_842 = vector.shape_cast %eq3A_841 : vector<1x1024xi1> to vector<1x1024xi1>
    %broadcast_in_dim3A_843 = vector.broadcast %broadcast_in_dim3A_842 : vector<1x1024xi1> to vector<128x1024xi1>
    %select_n3A_844 = arith.select %broadcast_in_dim3A_843, %slice3A_744, %select_n3A_838 : vector<128x1024xi1>, vector<128x1024xf32>
    %eq3A_845 = arith.constant 1.000000e+00 : f32
    %eq3A_846 = vector.broadcast %eq3A_845 : f32 to vector<1x1024xf32>
    %eq3A_847 = arith.cmpf oeq, %select_n3A_814, %eq3A_846 : vector<1x1024xf32>
    %broadcast_in_dim3A_848 = vector.shape_cast %eq3A_847 : vector<1x1024xi1> to vector<1x1024xi1>
    %broadcast_in_dim3A_849 = vector.broadcast %broadcast_in_dim3A_848 : vector<1x1024xi1> to vector<128x1024xi1>
    %select_n3A_850 = arith.select %broadcast_in_dim3A_849, %slice3A_743, %select_n3A_844 : vector<128x1024xi1>, vector<128x1024xf32>
    %eq3A_851 = arith.constant 0.000000e+00 : f32
    %eq3A_852 = vector.broadcast %eq3A_851 : f32 to vector<1x1024xf32>
    %eq3A_853 = arith.cmpf oeq, %select_n3A_814, %eq3A_852 : vector<1x1024xf32>
    %broadcast_in_dim3A_854 = vector.shape_cast %eq3A_853 : vector<1x1024xi1> to vector<1x1024xi1>
    %broadcast_in_dim3A_855 = vector.broadcast %broadcast_in_dim3A_854 : vector<1x1024xi1> to vector<128x1024xi1>
    %select_n3A_856 = arith.select %broadcast_in_dim3A_855, %slice3A_742, %select_n3A_850 : vector<128x1024xi1>, vector<128x1024xf32>
    %eq3A_857 = vector.broadcast %min3A_780 : vector<1x1024xf32> to vector<128x1024xf32>
    %eq3A_858 = arith.cmpf oeq, %select_n3A_856, %eq3A_857 : vector<128x1024xf32>
    %jit3A_859 = arith.constant 8.192000e+03 : f32
    %broadcast_in_dim3A_860 = vector.broadcast %jit3A_859 : f32 to vector<128x1024xf32>
    %select_n3A_861 = arith.select %eq3A_858, %convert_element_type3A, %broadcast_in_dim3A_860 : vector<128x1024xi1>, vector<128x1024xf32>
    %reduce_min3A_862 = arith.constant dense<0x7F800000> : vector<1024xf32>
    %reduce_min3A_863 = vector.multi_reduction <minimumf>, %select_n3A_861, %reduce_min3A_862 [0] : vector<128x1024xf32> to vector<1024xf32>
    %broadcast_in_dim3A_864 = vector.shape_cast %reduce_min3A_863 : vector<1024xf32> to vector<1x1024xf32>
    %mul3A_865 = arith.constant 1.280000e+02 : f32
    %mul3A_866 = vector.broadcast %mul3A_865 : f32 to vector<1x1024xf32>
    %mul3A_867 = arith.mulf %select_n3A_814, %mul3A_866 : vector<1x1024xf32>
    %add3A_868 = arith.addf %broadcast_in_dim3A_864, %mul3A_867 : vector<1x1024xf32>
    %add3A_869 = arith.constant 5.120000e+03 : f32
    %add3A_870 = vector.broadcast %add3A_869 : f32 to vector<1x1024xf32>
    %add3A_871 = arith.addf %add3A_868, %add3A_870 : vector<1x1024xf32>
    %lt3A_872 = arith.cmpf olt, %min3A_780, %select_n3A_728 : vector<1x1024xf32>
    %select_n3A_873 = arith.select %lt3A_872, %min3A_780, %select_n3A_728 : vector<1x1024xi1>, vector<1x1024xf32>
    %select_n3A_874 = arith.select %lt3A_872, %add3A_871, %select_n3A_729 : vector<1x1024xi1>, vector<1x1024xf32>
    %get3A_875 = arith.constant 6144 : index
    %get3A_876 = arith.constant 0 : index
    %get3A_877 = vector.load %arg4[%get3A_875, %get3A_876] : memref<8192x256xf32, #tpu.memory_space<vmem>>, vector<1024x256xf32>
    %dot_general3A_878 = arith.constant dense<0.000000e+00> : vector<1024x1024xf32>
    %dot_general3A_879 = tpu.matmul %get3A_877, %mul3A_5, %dot_general3A_878 {dimension_numbers = #tpu.dot_dimension_numbers<[1], [0], [0], [1], [0, 0, 1, 1], [], []>, transpose_lhs_hint = false} : vector<1024x256xf32>, vector<256x1024xf32>, vector<1024x1024xf32> -> vector<1024x1024xf32>
    %get3A_880 = arith.constant 6144 : index
    %get3A_881 = arith.constant 0 : index
    %get3A_882 = vector.load %arg2[%get3A_880, %get3A_881] : memref<8192x1xf32, #tpu.memory_space<vmem>>, vector<1024x1xf32>
    %add3A_883 = vector.broadcast %get3A_10 : vector<1x1024xf32> to vector<1024x1024xf32>
    %add3A_884 = arith.addf %add3A_883, %dot_general3A_879 : vector<1024x1024xf32>
    %add3A_885 = vector.broadcast %get3A_882 : vector<1024x1xf32> to vector<1024x1024xf32>
    %add3A_886 = arith.addf %add3A_884, %add3A_885 : vector<1024x1024xf32>
    %slice3A_887 = vector.extract_strided_slice %add3A_886 {offsets = [0, 0], sizes = [128, 1024], strides = [1, 1]} : vector<1024x1024xf32> to vector<128x1024xf32>
    %slice3A_888 = vector.extract_strided_slice %add3A_886 {offsets = [128, 0], sizes = [128, 1024], strides = [1, 1]} : vector<1024x1024xf32> to vector<128x1024xf32>
    %slice3A_889 = vector.extract_strided_slice %add3A_886 {offsets = [256, 0], sizes = [128, 1024], strides = [1, 1]} : vector<1024x1024xf32> to vector<128x1024xf32>
    %slice3A_890 = vector.extract_strided_slice %add3A_886 {offsets = [384, 0], sizes = [128, 1024], strides = [1, 1]} : vector<1024x1024xf32> to vector<128x1024xf32>
    %slice3A_891 = vector.extract_strided_slice %add3A_886 {offsets = [512, 0], sizes = [128, 1024], strides = [1, 1]} : vector<1024x1024xf32> to vector<128x1024xf32>
    %slice3A_892 = vector.extract_strided_slice %add3A_886 {offsets = [640, 0], sizes = [128, 1024], strides = [1, 1]} : vector<1024x1024xf32> to vector<128x1024xf32>
    %slice3A_893 = vector.extract_strided_slice %add3A_886 {offsets = [768, 0], sizes = [128, 1024], strides = [1, 1]} : vector<1024x1024xf32> to vector<128x1024xf32>
    %slice3A_894 = vector.extract_strided_slice %add3A_886 {offsets = [896, 0], sizes = [128, 1024], strides = [1, 1]} : vector<1024x1024xf32> to vector<128x1024xf32>
    %reduce_min3A_895 = arith.constant dense<0x7F800000> : vector<1024xf32>
    %reduce_min3A_896 = vector.multi_reduction <minimumf>, %slice3A_887, %reduce_min3A_895 [0] : vector<128x1024xf32> to vector<1024xf32>
    %broadcast_in_dim3A_897 = vector.shape_cast %reduce_min3A_896 : vector<1024xf32> to vector<1x1024xf32>
    %reduce_min3A_898 = arith.constant dense<0x7F800000> : vector<1024xf32>
    %reduce_min3A_899 = vector.multi_reduction <minimumf>, %slice3A_888, %reduce_min3A_898 [0] : vector<128x1024xf32> to vector<1024xf32>
    %broadcast_in_dim3A_900 = vector.shape_cast %reduce_min3A_899 : vector<1024xf32> to vector<1x1024xf32>
    %reduce_min3A_901 = arith.constant dense<0x7F800000> : vector<1024xf32>
    %reduce_min3A_902 = vector.multi_reduction <minimumf>, %slice3A_889, %reduce_min3A_901 [0] : vector<128x1024xf32> to vector<1024xf32>
    %broadcast_in_dim3A_903 = vector.shape_cast %reduce_min3A_902 : vector<1024xf32> to vector<1x1024xf32>
    %reduce_min3A_904 = arith.constant dense<0x7F800000> : vector<1024xf32>
    %reduce_min3A_905 = vector.multi_reduction <minimumf>, %slice3A_890, %reduce_min3A_904 [0] : vector<128x1024xf32> to vector<1024xf32>
    %broadcast_in_dim3A_906 = vector.shape_cast %reduce_min3A_905 : vector<1024xf32> to vector<1x1024xf32>
    %reduce_min3A_907 = arith.constant dense<0x7F800000> : vector<1024xf32>
    %reduce_min3A_908 = vector.multi_reduction <minimumf>, %slice3A_891, %reduce_min3A_907 [0] : vector<128x1024xf32> to vector<1024xf32>
    %broadcast_in_dim3A_909 = vector.shape_cast %reduce_min3A_908 : vector<1024xf32> to vector<1x1024xf32>
    %reduce_min3A_910 = arith.constant dense<0x7F800000> : vector<1024xf32>
    %reduce_min3A_911 = vector.multi_reduction <minimumf>, %slice3A_892, %reduce_min3A_910 [0] : vector<128x1024xf32> to vector<1024xf32>
    %broadcast_in_dim3A_912 = vector.shape_cast %reduce_min3A_911 : vector<1024xf32> to vector<1x1024xf32>
    %reduce_min3A_913 = arith.constant dense<0x7F800000> : vector<1024xf32>
    %reduce_min3A_914 = vector.multi_reduction <minimumf>, %slice3A_893, %reduce_min3A_913 [0] : vector<128x1024xf32> to vector<1024xf32>
    %broadcast_in_dim3A_915 = vector.shape_cast %reduce_min3A_914 : vector<1024xf32> to vector<1x1024xf32>
    %reduce_min3A_916 = arith.constant dense<0x7F800000> : vector<1024xf32>
    %reduce_min3A_917 = vector.multi_reduction <minimumf>, %slice3A_894, %reduce_min3A_916 [0] : vector<128x1024xf32> to vector<1024xf32>
    %broadcast_in_dim3A_918 = vector.shape_cast %reduce_min3A_917 : vector<1024xf32> to vector<1x1024xf32>
    %min3A_919 = arith.minimumf %broadcast_in_dim3A_897, %broadcast_in_dim3A_900 : vector<1x1024xf32>
    %min3A_920 = arith.minimumf %min3A_919, %broadcast_in_dim3A_903 : vector<1x1024xf32>
    %min3A_921 = arith.minimumf %min3A_920, %broadcast_in_dim3A_906 : vector<1x1024xf32>
    %min3A_922 = arith.minimumf %min3A_921, %broadcast_in_dim3A_909 : vector<1x1024xf32>
    %min3A_923 = arith.minimumf %min3A_922, %broadcast_in_dim3A_912 : vector<1x1024xf32>
    %min3A_924 = arith.minimumf %min3A_923, %broadcast_in_dim3A_915 : vector<1x1024xf32>
    %min3A_925 = arith.minimumf %min3A_924, %broadcast_in_dim3A_918 : vector<1x1024xf32>
    %broadcast_in_dim3A_926 = arith.constant 8.000000e+00 : f32
    %broadcast_in_dim3A_927 = vector.broadcast %broadcast_in_dim3A_926 : f32 to vector<1x1024xf32>
    %eq3A_928 = arith.cmpf oeq, %broadcast_in_dim3A_918, %min3A_925 : vector<1x1024xf32>
    %jit3A_929 = arith.constant 7.000000e+00 : f32
    %broadcast_in_dim3A_930 = vector.broadcast %jit3A_929 : f32 to vector<1x1024xf32>
    %select_n3A_931 = arith.select %eq3A_928, %broadcast_in_dim3A_930, %broadcast_in_dim3A_927 : vector<1x1024xi1>, vector<1x1024xf32>
    %eq3A_932 = arith.cmpf oeq, %broadcast_in_dim3A_915, %min3A_925 : vector<1x1024xf32>
    %jit3A_933 = arith.constant 6.000000e+00 : f32
    %broadcast_in_dim3A_934 = vector.broadcast %jit3A_933 : f32 to vector<1x1024xf32>
    %select_n3A_935 = arith.select %eq3A_932, %broadcast_in_dim3A_934, %select_n3A_931 : vector<1x1024xi1>, vector<1x1024xf32>
    %eq3A_936 = arith.cmpf oeq, %broadcast_in_dim3A_912, %min3A_925 : vector<1x1024xf32>
    %jit3A_937 = arith.constant 5.000000e+00 : f32
    %broadcast_in_dim3A_938 = vector.broadcast %jit3A_937 : f32 to vector<1x1024xf32>
    %select_n3A_939 = arith.select %eq3A_936, %broadcast_in_dim3A_938, %select_n3A_935 : vector<1x1024xi1>, vector<1x1024xf32>
    %eq3A_940 = arith.cmpf oeq, %broadcast_in_dim3A_909, %min3A_925 : vector<1x1024xf32>
    %jit3A_941 = arith.constant 4.000000e+00 : f32
    %broadcast_in_dim3A_942 = vector.broadcast %jit3A_941 : f32 to vector<1x1024xf32>
    %select_n3A_943 = arith.select %eq3A_940, %broadcast_in_dim3A_942, %select_n3A_939 : vector<1x1024xi1>, vector<1x1024xf32>
    %eq3A_944 = arith.cmpf oeq, %broadcast_in_dim3A_906, %min3A_925 : vector<1x1024xf32>
    %jit3A_945 = arith.constant 3.000000e+00 : f32
    %broadcast_in_dim3A_946 = vector.broadcast %jit3A_945 : f32 to vector<1x1024xf32>
    %select_n3A_947 = arith.select %eq3A_944, %broadcast_in_dim3A_946, %select_n3A_943 : vector<1x1024xi1>, vector<1x1024xf32>
    %eq3A_948 = arith.cmpf oeq, %broadcast_in_dim3A_903, %min3A_925 : vector<1x1024xf32>
    %jit3A_949 = arith.constant 2.000000e+00 : f32
    %broadcast_in_dim3A_950 = vector.broadcast %jit3A_949 : f32 to vector<1x1024xf32>
    %select_n3A_951 = arith.select %eq3A_948, %broadcast_in_dim3A_950, %select_n3A_947 : vector<1x1024xi1>, vector<1x1024xf32>
    %eq3A_952 = arith.cmpf oeq, %broadcast_in_dim3A_900, %min3A_925 : vector<1x1024xf32>
    %jit3A_953 = arith.constant 1.000000e+00 : f32
    %broadcast_in_dim3A_954 = vector.broadcast %jit3A_953 : f32 to vector<1x1024xf32>
    %select_n3A_955 = arith.select %eq3A_952, %broadcast_in_dim3A_954, %select_n3A_951 : vector<1x1024xi1>, vector<1x1024xf32>
    %eq3A_956 = arith.cmpf oeq, %broadcast_in_dim3A_897, %min3A_925 : vector<1x1024xf32>
    %jit3A_957 = arith.constant 0.000000e+00 : f32
    %broadcast_in_dim3A_958 = vector.broadcast %jit3A_957 : f32 to vector<1x1024xf32>
    %select_n3A_959 = arith.select %eq3A_956, %broadcast_in_dim3A_958, %select_n3A_955 : vector<1x1024xi1>, vector<1x1024xf32>
    %eq3A_960 = arith.constant 6.000000e+00 : f32
    %eq3A_961 = vector.broadcast %eq3A_960 : f32 to vector<1x1024xf32>
    %eq3A_962 = arith.cmpf oeq, %select_n3A_959, %eq3A_961 : vector<1x1024xf32>
    %broadcast_in_dim3A_963 = vector.shape_cast %eq3A_962 : vector<1x1024xi1> to vector<1x1024xi1>
    %broadcast_in_dim3A_964 = vector.broadcast %broadcast_in_dim3A_963 : vector<1x1024xi1> to vector<128x1024xi1>
    %select_n3A_965 = arith.select %broadcast_in_dim3A_964, %slice3A_893, %slice3A_894 : vector<128x1024xi1>, vector<128x1024xf32>
    %eq3A_966 = arith.constant 5.000000e+00 : f32
    %eq3A_967 = vector.broadcast %eq3A_966 : f32 to vector<1x1024xf32>
    %eq3A_968 = arith.cmpf oeq, %select_n3A_959, %eq3A_967 : vector<1x1024xf32>
    %broadcast_in_dim3A_969 = vector.shape_cast %eq3A_968 : vector<1x1024xi1> to vector<1x1024xi1>
    %broadcast_in_dim3A_970 = vector.broadcast %broadcast_in_dim3A_969 : vector<1x1024xi1> to vector<128x1024xi1>
    %select_n3A_971 = arith.select %broadcast_in_dim3A_970, %slice3A_892, %select_n3A_965 : vector<128x1024xi1>, vector<128x1024xf32>
    %eq3A_972 = arith.constant 4.000000e+00 : f32
    %eq3A_973 = vector.broadcast %eq3A_972 : f32 to vector<1x1024xf32>
    %eq3A_974 = arith.cmpf oeq, %select_n3A_959, %eq3A_973 : vector<1x1024xf32>
    %broadcast_in_dim3A_975 = vector.shape_cast %eq3A_974 : vector<1x1024xi1> to vector<1x1024xi1>
    %broadcast_in_dim3A_976 = vector.broadcast %broadcast_in_dim3A_975 : vector<1x1024xi1> to vector<128x1024xi1>
    %select_n3A_977 = arith.select %broadcast_in_dim3A_976, %slice3A_891, %select_n3A_971 : vector<128x1024xi1>, vector<128x1024xf32>
    %eq3A_978 = arith.constant 3.000000e+00 : f32
    %eq3A_979 = vector.broadcast %eq3A_978 : f32 to vector<1x1024xf32>
    %eq3A_980 = arith.cmpf oeq, %select_n3A_959, %eq3A_979 : vector<1x1024xf32>
    %broadcast_in_dim3A_981 = vector.shape_cast %eq3A_980 : vector<1x1024xi1> to vector<1x1024xi1>
    %broadcast_in_dim3A_982 = vector.broadcast %broadcast_in_dim3A_981 : vector<1x1024xi1> to vector<128x1024xi1>
    %select_n3A_983 = arith.select %broadcast_in_dim3A_982, %slice3A_890, %select_n3A_977 : vector<128x1024xi1>, vector<128x1024xf32>
    %eq3A_984 = arith.constant 2.000000e+00 : f32
    %eq3A_985 = vector.broadcast %eq3A_984 : f32 to vector<1x1024xf32>
    %eq3A_986 = arith.cmpf oeq, %select_n3A_959, %eq3A_985 : vector<1x1024xf32>
    %broadcast_in_dim3A_987 = vector.shape_cast %eq3A_986 : vector<1x1024xi1> to vector<1x1024xi1>
    %broadcast_in_dim3A_988 = vector.broadcast %broadcast_in_dim3A_987 : vector<1x1024xi1> to vector<128x1024xi1>
    %select_n3A_989 = arith.select %broadcast_in_dim3A_988, %slice3A_889, %select_n3A_983 : vector<128x1024xi1>, vector<128x1024xf32>
    %eq3A_990 = arith.constant 1.000000e+00 : f32
    %eq3A_991 = vector.broadcast %eq3A_990 : f32 to vector<1x1024xf32>
    %eq3A_992 = arith.cmpf oeq, %select_n3A_959, %eq3A_991 : vector<1x1024xf32>
    %broadcast_in_dim3A_993 = vector.shape_cast %eq3A_992 : vector<1x1024xi1> to vector<1x1024xi1>
    %broadcast_in_dim3A_994 = vector.broadcast %broadcast_in_dim3A_993 : vector<1x1024xi1> to vector<128x1024xi1>
    %select_n3A_995 = arith.select %broadcast_in_dim3A_994, %slice3A_888, %select_n3A_989 : vector<128x1024xi1>, vector<128x1024xf32>
    %eq3A_996 = arith.constant 0.000000e+00 : f32
    %eq3A_997 = vector.broadcast %eq3A_996 : f32 to vector<1x1024xf32>
    %eq3A_998 = arith.cmpf oeq, %select_n3A_959, %eq3A_997 : vector<1x1024xf32>
    %broadcast_in_dim3A_999 = vector.shape_cast %eq3A_998 : vector<1x1024xi1> to vector<1x1024xi1>
    %broadcast_in_dim3A_1000 = vector.broadcast %broadcast_in_dim3A_999 : vector<1x1024xi1> to vector<128x1024xi1>
    %select_n3A_1001 = arith.select %broadcast_in_dim3A_1000, %slice3A_887, %select_n3A_995 : vector<128x1024xi1>, vector<128x1024xf32>
    %eq3A_1002 = vector.broadcast %min3A_925 : vector<1x1024xf32> to vector<128x1024xf32>
    %eq3A_1003 = arith.cmpf oeq, %select_n3A_1001, %eq3A_1002 : vector<128x1024xf32>
    %jit3A_1004 = arith.constant 8.192000e+03 : f32
    %broadcast_in_dim3A_1005 = vector.broadcast %jit3A_1004 : f32 to vector<128x1024xf32>
    %select_n3A_1006 = arith.select %eq3A_1003, %convert_element_type3A, %broadcast_in_dim3A_1005 : vector<128x1024xi1>, vector<128x1024xf32>
    %reduce_min3A_1007 = arith.constant dense<0x7F800000> : vector<1024xf32>
    %reduce_min3A_1008 = vector.multi_reduction <minimumf>, %select_n3A_1006, %reduce_min3A_1007 [0] : vector<128x1024xf32> to vector<1024xf32>
    %broadcast_in_dim3A_1009 = vector.shape_cast %reduce_min3A_1008 : vector<1024xf32> to vector<1x1024xf32>
    %mul3A_1010 = arith.constant 1.280000e+02 : f32
    %mul3A_1011 = vector.broadcast %mul3A_1010 : f32 to vector<1x1024xf32>
    %mul3A_1012 = arith.mulf %select_n3A_959, %mul3A_1011 : vector<1x1024xf32>
    %add3A_1013 = arith.addf %broadcast_in_dim3A_1009, %mul3A_1012 : vector<1x1024xf32>
    %add3A_1014 = arith.constant 6.144000e+03 : f32
    %add3A_1015 = vector.broadcast %add3A_1014 : f32 to vector<1x1024xf32>
    %add3A_1016 = arith.addf %add3A_1013, %add3A_1015 : vector<1x1024xf32>
    %lt3A_1017 = arith.cmpf olt, %min3A_925, %select_n3A_873 : vector<1x1024xf32>
    %select_n3A_1018 = arith.select %lt3A_1017, %min3A_925, %select_n3A_873 : vector<1x1024xi1>, vector<1x1024xf32>
    %select_n3A_1019 = arith.select %lt3A_1017, %add3A_1016, %select_n3A_874 : vector<1x1024xi1>, vector<1x1024xf32>
    %get3A_1020 = arith.constant 7168 : index
    %get3A_1021 = arith.constant 0 : index
    %get3A_1022 = vector.load %arg4[%get3A_1020, %get3A_1021] : memref<8192x256xf32, #tpu.memory_space<vmem>>, vector<1024x256xf32>
    %dot_general3A_1023 = arith.constant dense<0.000000e+00> : vector<1024x1024xf32>
    %dot_general3A_1024 = tpu.matmul %get3A_1022, %mul3A_5, %dot_general3A_1023 {dimension_numbers = #tpu.dot_dimension_numbers<[1], [0], [0], [1], [0, 0, 1, 1], [], []>, transpose_lhs_hint = false} : vector<1024x256xf32>, vector<256x1024xf32>, vector<1024x1024xf32> -> vector<1024x1024xf32>
    %get3A_1025 = arith.constant 7168 : index
    %get3A_1026 = arith.constant 0 : index
    %get3A_1027 = vector.load %arg2[%get3A_1025, %get3A_1026] : memref<8192x1xf32, #tpu.memory_space<vmem>>, vector<1024x1xf32>
    %add3A_1028 = vector.broadcast %get3A_10 : vector<1x1024xf32> to vector<1024x1024xf32>
    %add3A_1029 = arith.addf %add3A_1028, %dot_general3A_1024 : vector<1024x1024xf32>
    %add3A_1030 = vector.broadcast %get3A_1027 : vector<1024x1xf32> to vector<1024x1024xf32>
    %add3A_1031 = arith.addf %add3A_1029, %add3A_1030 : vector<1024x1024xf32>
    %slice3A_1032 = vector.extract_strided_slice %add3A_1031 {offsets = [0, 0], sizes = [128, 1024], strides = [1, 1]} : vector<1024x1024xf32> to vector<128x1024xf32>
    %slice3A_1033 = vector.extract_strided_slice %add3A_1031 {offsets = [128, 0], sizes = [128, 1024], strides = [1, 1]} : vector<1024x1024xf32> to vector<128x1024xf32>
    %slice3A_1034 = vector.extract_strided_slice %add3A_1031 {offsets = [256, 0], sizes = [128, 1024], strides = [1, 1]} : vector<1024x1024xf32> to vector<128x1024xf32>
    %slice3A_1035 = vector.extract_strided_slice %add3A_1031 {offsets = [384, 0], sizes = [128, 1024], strides = [1, 1]} : vector<1024x1024xf32> to vector<128x1024xf32>
    %slice3A_1036 = vector.extract_strided_slice %add3A_1031 {offsets = [512, 0], sizes = [128, 1024], strides = [1, 1]} : vector<1024x1024xf32> to vector<128x1024xf32>
    %slice3A_1037 = vector.extract_strided_slice %add3A_1031 {offsets = [640, 0], sizes = [128, 1024], strides = [1, 1]} : vector<1024x1024xf32> to vector<128x1024xf32>
    %slice3A_1038 = vector.extract_strided_slice %add3A_1031 {offsets = [768, 0], sizes = [128, 1024], strides = [1, 1]} : vector<1024x1024xf32> to vector<128x1024xf32>
    %slice3A_1039 = vector.extract_strided_slice %add3A_1031 {offsets = [896, 0], sizes = [128, 1024], strides = [1, 1]} : vector<1024x1024xf32> to vector<128x1024xf32>
    %reduce_min3A_1040 = arith.constant dense<0x7F800000> : vector<1024xf32>
    %reduce_min3A_1041 = vector.multi_reduction <minimumf>, %slice3A_1032, %reduce_min3A_1040 [0] : vector<128x1024xf32> to vector<1024xf32>
    %broadcast_in_dim3A_1042 = vector.shape_cast %reduce_min3A_1041 : vector<1024xf32> to vector<1x1024xf32>
    %reduce_min3A_1043 = arith.constant dense<0x7F800000> : vector<1024xf32>
    %reduce_min3A_1044 = vector.multi_reduction <minimumf>, %slice3A_1033, %reduce_min3A_1043 [0] : vector<128x1024xf32> to vector<1024xf32>
    %broadcast_in_dim3A_1045 = vector.shape_cast %reduce_min3A_1044 : vector<1024xf32> to vector<1x1024xf32>
    %reduce_min3A_1046 = arith.constant dense<0x7F800000> : vector<1024xf32>
    %reduce_min3A_1047 = vector.multi_reduction <minimumf>, %slice3A_1034, %reduce_min3A_1046 [0] : vector<128x1024xf32> to vector<1024xf32>
    %broadcast_in_dim3A_1048 = vector.shape_cast %reduce_min3A_1047 : vector<1024xf32> to vector<1x1024xf32>
    %reduce_min3A_1049 = arith.constant dense<0x7F800000> : vector<1024xf32>
    %reduce_min3A_1050 = vector.multi_reduction <minimumf>, %slice3A_1035, %reduce_min3A_1049 [0] : vector<128x1024xf32> to vector<1024xf32>
    %broadcast_in_dim3A_1051 = vector.shape_cast %reduce_min3A_1050 : vector<1024xf32> to vector<1x1024xf32>
    %reduce_min3A_1052 = arith.constant dense<0x7F800000> : vector<1024xf32>
    %reduce_min3A_1053 = vector.multi_reduction <minimumf>, %slice3A_1036, %reduce_min3A_1052 [0] : vector<128x1024xf32> to vector<1024xf32>
    %broadcast_in_dim3A_1054 = vector.shape_cast %reduce_min3A_1053 : vector<1024xf32> to vector<1x1024xf32>
    %reduce_min3A_1055 = arith.constant dense<0x7F800000> : vector<1024xf32>
    %reduce_min3A_1056 = vector.multi_reduction <minimumf>, %slice3A_1037, %reduce_min3A_1055 [0] : vector<128x1024xf32> to vector<1024xf32>
    %broadcast_in_dim3A_1057 = vector.shape_cast %reduce_min3A_1056 : vector<1024xf32> to vector<1x1024xf32>
    %reduce_min3A_1058 = arith.constant dense<0x7F800000> : vector<1024xf32>
    %reduce_min3A_1059 = vector.multi_reduction <minimumf>, %slice3A_1038, %reduce_min3A_1058 [0] : vector<128x1024xf32> to vector<1024xf32>
    %broadcast_in_dim3A_1060 = vector.shape_cast %reduce_min3A_1059 : vector<1024xf32> to vector<1x1024xf32>
    %reduce_min3A_1061 = arith.constant dense<0x7F800000> : vector<1024xf32>
    %reduce_min3A_1062 = vector.multi_reduction <minimumf>, %slice3A_1039, %reduce_min3A_1061 [0] : vector<128x1024xf32> to vector<1024xf32>
    %broadcast_in_dim3A_1063 = vector.shape_cast %reduce_min3A_1062 : vector<1024xf32> to vector<1x1024xf32>
    %min3A_1064 = arith.minimumf %broadcast_in_dim3A_1042, %broadcast_in_dim3A_1045 : vector<1x1024xf32>
    %min3A_1065 = arith.minimumf %min3A_1064, %broadcast_in_dim3A_1048 : vector<1x1024xf32>
    %min3A_1066 = arith.minimumf %min3A_1065, %broadcast_in_dim3A_1051 : vector<1x1024xf32>
    %min3A_1067 = arith.minimumf %min3A_1066, %broadcast_in_dim3A_1054 : vector<1x1024xf32>
    %min3A_1068 = arith.minimumf %min3A_1067, %broadcast_in_dim3A_1057 : vector<1x1024xf32>
    %min3A_1069 = arith.minimumf %min3A_1068, %broadcast_in_dim3A_1060 : vector<1x1024xf32>
    %min3A_1070 = arith.minimumf %min3A_1069, %broadcast_in_dim3A_1063 : vector<1x1024xf32>
    %broadcast_in_dim3A_1071 = arith.constant 8.000000e+00 : f32
    %broadcast_in_dim3A_1072 = vector.broadcast %broadcast_in_dim3A_1071 : f32 to vector<1x1024xf32>
    %eq3A_1073 = arith.cmpf oeq, %broadcast_in_dim3A_1063, %min3A_1070 : vector<1x1024xf32>
    %jit3A_1074 = arith.constant 7.000000e+00 : f32
    %broadcast_in_dim3A_1075 = vector.broadcast %jit3A_1074 : f32 to vector<1x1024xf32>
    %select_n3A_1076 = arith.select %eq3A_1073, %broadcast_in_dim3A_1075, %broadcast_in_dim3A_1072 : vector<1x1024xi1>, vector<1x1024xf32>
    %eq3A_1077 = arith.cmpf oeq, %broadcast_in_dim3A_1060, %min3A_1070 : vector<1x1024xf32>
    %jit3A_1078 = arith.constant 6.000000e+00 : f32
    %broadcast_in_dim3A_1079 = vector.broadcast %jit3A_1078 : f32 to vector<1x1024xf32>
    %select_n3A_1080 = arith.select %eq3A_1077, %broadcast_in_dim3A_1079, %select_n3A_1076 : vector<1x1024xi1>, vector<1x1024xf32>
    %eq3A_1081 = arith.cmpf oeq, %broadcast_in_dim3A_1057, %min3A_1070 : vector<1x1024xf32>
    %jit3A_1082 = arith.constant 5.000000e+00 : f32
    %broadcast_in_dim3A_1083 = vector.broadcast %jit3A_1082 : f32 to vector<1x1024xf32>
    %select_n3A_1084 = arith.select %eq3A_1081, %broadcast_in_dim3A_1083, %select_n3A_1080 : vector<1x1024xi1>, vector<1x1024xf32>
    %eq3A_1085 = arith.cmpf oeq, %broadcast_in_dim3A_1054, %min3A_1070 : vector<1x1024xf32>
    %jit3A_1086 = arith.constant 4.000000e+00 : f32
    %broadcast_in_dim3A_1087 = vector.broadcast %jit3A_1086 : f32 to vector<1x1024xf32>
    %select_n3A_1088 = arith.select %eq3A_1085, %broadcast_in_dim3A_1087, %select_n3A_1084 : vector<1x1024xi1>, vector<1x1024xf32>
    %eq3A_1089 = arith.cmpf oeq, %broadcast_in_dim3A_1051, %min3A_1070 : vector<1x1024xf32>
    %jit3A_1090 = arith.constant 3.000000e+00 : f32
    %broadcast_in_dim3A_1091 = vector.broadcast %jit3A_1090 : f32 to vector<1x1024xf32>
    %select_n3A_1092 = arith.select %eq3A_1089, %broadcast_in_dim3A_1091, %select_n3A_1088 : vector<1x1024xi1>, vector<1x1024xf32>
    %eq3A_1093 = arith.cmpf oeq, %broadcast_in_dim3A_1048, %min3A_1070 : vector<1x1024xf32>
    %jit3A_1094 = arith.constant 2.000000e+00 : f32
    %broadcast_in_dim3A_1095 = vector.broadcast %jit3A_1094 : f32 to vector<1x1024xf32>
    %select_n3A_1096 = arith.select %eq3A_1093, %broadcast_in_dim3A_1095, %select_n3A_1092 : vector<1x1024xi1>, vector<1x1024xf32>
    %eq3A_1097 = arith.cmpf oeq, %broadcast_in_dim3A_1045, %min3A_1070 : vector<1x1024xf32>
    %jit3A_1098 = arith.constant 1.000000e+00 : f32
    %broadcast_in_dim3A_1099 = vector.broadcast %jit3A_1098 : f32 to vector<1x1024xf32>
    %select_n3A_1100 = arith.select %eq3A_1097, %broadcast_in_dim3A_1099, %select_n3A_1096 : vector<1x1024xi1>, vector<1x1024xf32>
    %eq3A_1101 = arith.cmpf oeq, %broadcast_in_dim3A_1042, %min3A_1070 : vector<1x1024xf32>
    %jit3A_1102 = arith.constant 0.000000e+00 : f32
    %broadcast_in_dim3A_1103 = vector.broadcast %jit3A_1102 : f32 to vector<1x1024xf32>
    %select_n3A_1104 = arith.select %eq3A_1101, %broadcast_in_dim3A_1103, %select_n3A_1100 : vector<1x1024xi1>, vector<1x1024xf32>
    %eq3A_1105 = arith.constant 6.000000e+00 : f32
    %eq3A_1106 = vector.broadcast %eq3A_1105 : f32 to vector<1x1024xf32>
    %eq3A_1107 = arith.cmpf oeq, %select_n3A_1104, %eq3A_1106 : vector<1x1024xf32>
    %broadcast_in_dim3A_1108 = vector.shape_cast %eq3A_1107 : vector<1x1024xi1> to vector<1x1024xi1>
    %broadcast_in_dim3A_1109 = vector.broadcast %broadcast_in_dim3A_1108 : vector<1x1024xi1> to vector<128x1024xi1>
    %select_n3A_1110 = arith.select %broadcast_in_dim3A_1109, %slice3A_1038, %slice3A_1039 : vector<128x1024xi1>, vector<128x1024xf32>
    %eq3A_1111 = arith.constant 5.000000e+00 : f32
    %eq3A_1112 = vector.broadcast %eq3A_1111 : f32 to vector<1x1024xf32>
    %eq3A_1113 = arith.cmpf oeq, %select_n3A_1104, %eq3A_1112 : vector<1x1024xf32>
    %broadcast_in_dim3A_1114 = vector.shape_cast %eq3A_1113 : vector<1x1024xi1> to vector<1x1024xi1>
    %broadcast_in_dim3A_1115 = vector.broadcast %broadcast_in_dim3A_1114 : vector<1x1024xi1> to vector<128x1024xi1>
    %select_n3A_1116 = arith.select %broadcast_in_dim3A_1115, %slice3A_1037, %select_n3A_1110 : vector<128x1024xi1>, vector<128x1024xf32>
    %eq3A_1117 = arith.constant 4.000000e+00 : f32
    %eq3A_1118 = vector.broadcast %eq3A_1117 : f32 to vector<1x1024xf32>
    %eq3A_1119 = arith.cmpf oeq, %select_n3A_1104, %eq3A_1118 : vector<1x1024xf32>
    %broadcast_in_dim3A_1120 = vector.shape_cast %eq3A_1119 : vector<1x1024xi1> to vector<1x1024xi1>
    %broadcast_in_dim3A_1121 = vector.broadcast %broadcast_in_dim3A_1120 : vector<1x1024xi1> to vector<128x1024xi1>
    %select_n3A_1122 = arith.select %broadcast_in_dim3A_1121, %slice3A_1036, %select_n3A_1116 : vector<128x1024xi1>, vector<128x1024xf32>
    %eq3A_1123 = arith.constant 3.000000e+00 : f32
    %eq3A_1124 = vector.broadcast %eq3A_1123 : f32 to vector<1x1024xf32>
    %eq3A_1125 = arith.cmpf oeq, %select_n3A_1104, %eq3A_1124 : vector<1x1024xf32>
    %broadcast_in_dim3A_1126 = vector.shape_cast %eq3A_1125 : vector<1x1024xi1> to vector<1x1024xi1>
    %broadcast_in_dim3A_1127 = vector.broadcast %broadcast_in_dim3A_1126 : vector<1x1024xi1> to vector<128x1024xi1>
    %select_n3A_1128 = arith.select %broadcast_in_dim3A_1127, %slice3A_1035, %select_n3A_1122 : vector<128x1024xi1>, vector<128x1024xf32>
    %eq3A_1129 = arith.constant 2.000000e+00 : f32
    %eq3A_1130 = vector.broadcast %eq3A_1129 : f32 to vector<1x1024xf32>
    %eq3A_1131 = arith.cmpf oeq, %select_n3A_1104, %eq3A_1130 : vector<1x1024xf32>
    %broadcast_in_dim3A_1132 = vector.shape_cast %eq3A_1131 : vector<1x1024xi1> to vector<1x1024xi1>
    %broadcast_in_dim3A_1133 = vector.broadcast %broadcast_in_dim3A_1132 : vector<1x1024xi1> to vector<128x1024xi1>
    %select_n3A_1134 = arith.select %broadcast_in_dim3A_1133, %slice3A_1034, %select_n3A_1128 : vector<128x1024xi1>, vector<128x1024xf32>
    %eq3A_1135 = arith.constant 1.000000e+00 : f32
    %eq3A_1136 = vector.broadcast %eq3A_1135 : f32 to vector<1x1024xf32>
    %eq3A_1137 = arith.cmpf oeq, %select_n3A_1104, %eq3A_1136 : vector<1x1024xf32>
    %broadcast_in_dim3A_1138 = vector.shape_cast %eq3A_1137 : vector<1x1024xi1> to vector<1x1024xi1>
    %broadcast_in_dim3A_1139 = vector.broadcast %broadcast_in_dim3A_1138 : vector<1x1024xi1> to vector<128x1024xi1>
    %select_n3A_1140 = arith.select %broadcast_in_dim3A_1139, %slice3A_1033, %select_n3A_1134 : vector<128x1024xi1>, vector<128x1024xf32>
    %eq3A_1141 = arith.constant 0.000000e+00 : f32
    %eq3A_1142 = vector.broadcast %eq3A_1141 : f32 to vector<1x1024xf32>
    %eq3A_1143 = arith.cmpf oeq, %select_n3A_1104, %eq3A_1142 : vector<1x1024xf32>
    %broadcast_in_dim3A_1144 = vector.shape_cast %eq3A_1143 : vector<1x1024xi1> to vector<1x1024xi1>
    %broadcast_in_dim3A_1145 = vector.broadcast %broadcast_in_dim3A_1144 : vector<1x1024xi1> to vector<128x1024xi1>
    %select_n3A_1146 = arith.select %broadcast_in_dim3A_1145, %slice3A_1032, %select_n3A_1140 : vector<128x1024xi1>, vector<128x1024xf32>
    %eq3A_1147 = vector.broadcast %min3A_1070 : vector<1x1024xf32> to vector<128x1024xf32>
    %eq3A_1148 = arith.cmpf oeq, %select_n3A_1146, %eq3A_1147 : vector<128x1024xf32>
    %jit3A_1149 = arith.constant 8.192000e+03 : f32
    %broadcast_in_dim3A_1150 = vector.broadcast %jit3A_1149 : f32 to vector<128x1024xf32>
    %select_n3A_1151 = arith.select %eq3A_1148, %convert_element_type3A, %broadcast_in_dim3A_1150 : vector<128x1024xi1>, vector<128x1024xf32>
    %reduce_min3A_1152 = arith.constant dense<0x7F800000> : vector<1024xf32>
    %reduce_min3A_1153 = vector.multi_reduction <minimumf>, %select_n3A_1151, %reduce_min3A_1152 [0] : vector<128x1024xf32> to vector<1024xf32>
    %broadcast_in_dim3A_1154 = vector.shape_cast %reduce_min3A_1153 : vector<1024xf32> to vector<1x1024xf32>
    %mul3A_1155 = arith.constant 1.280000e+02 : f32
    %mul3A_1156 = vector.broadcast %mul3A_1155 : f32 to vector<1x1024xf32>
    %mul3A_1157 = arith.mulf %select_n3A_1104, %mul3A_1156 : vector<1x1024xf32>
    %add3A_1158 = arith.addf %broadcast_in_dim3A_1154, %mul3A_1157 : vector<1x1024xf32>
    %add3A_1159 = arith.constant 7.168000e+03 : f32
    %add3A_1160 = vector.broadcast %add3A_1159 : f32 to vector<1x1024xf32>
    %add3A_1161 = arith.addf %add3A_1158, %add3A_1160 : vector<1x1024xf32>
    %lt3A_1162 = arith.cmpf olt, %min3A_1070, %select_n3A_1018 : vector<1x1024xf32>
    %select_n3A_1163 = arith.select %lt3A_1162, %add3A_1161, %select_n3A_1019 : vector<1x1024xi1>, vector<1x1024xf32>
    %convert_element_type3A_1164 = arith.fptosi %select_n3A_1163 : vector<1x1024xf32> to vector<1x1024xi32>
    %swap3A = arith.constant 0 : index
    %swap3A_1165 = arith.constant 0 : index
    %swap3A_1166 = arith.constant 0 : index
    %swap3A_1167 = vector.load %arg5[%swap3A, %swap3A_1165, %swap3A_1166] : memref<1x1x1024xi32, #tpu.memory_space<vmem>>, vector<1x1x1024xi32>
    %swap3A_1168 = vector.shape_cast %swap3A_1167 : vector<1x1x1024xi32> to vector<1x1024xi32>
    %swap3A_1169 = vector.shape_cast %convert_element_type3A_1164 : vector<1x1024xi32> to vector<1x1x1024xi32>
    tpu.vector_store %arg5[%swap3A, %swap3A_1165, %swap3A_1166], %swap3A_1169 {strides = array<i32>} : memref<1x1x1024xi32, #tpu.memory_space<vmem>>, vector<1x1x1024xi32>,
    return
  }
  func.func @transform_0(%arg0: i32) -> (i32, i32, i32) {
    %c0_i32 = arith.constant 0 : i32
    %c0_i32_0 = arith.constant 0 : i32
    %c0_i32_1 = arith.constant 0 : i32
    return %arg0, %c0_i32, %c0_i32_0 : i32, i32, i32
  }
  func.func @transform_1(%arg0: i32) -> (i32, i32) {
    %c0_i32 = arith.constant 0 : i32
    %c0_i32_0 = arith.constant 0 : i32
    %c0_i32_1 = arith.constant 0 : i32
    return %c0_i32, %c0_i32_0 : i32, i32
  }
  func.func @transform_2(%arg0: i32) -> (i32, i32, i32) {
    %c0_i32 = arith.constant 0 : i32
    %c0_i32_0 = arith.constant 0 : i32
    %c0_i32_1 = arith.constant 0 : i32
    return %arg0, %c0_i32, %c0_i32_0 : i32, i32, i32
  }
  func.func @transform_3(%arg0: i32) -> (i32, i32) {
    %c0_i32 = arith.constant 0 : i32
    %c0_i32_0 = arith.constant 0 : i32
    %c0_i32_1 = arith.constant 0 : i32
    return %c0_i32, %c0_i32_0 : i32, i32
  }
  func.func @transform_4(%arg0: i32) -> (i32, i32, i32) {
    %c0_i32 = arith.constant 0 : i32
    %c0_i32_0 = arith.constant 0 : i32
    %c0_i32_1 = arith.constant 0 : i32
    return %arg0, %c0_i32, %c0_i32_0 : i32, i32, i32
  }
}

module attributes {stable_mosaic.version = 14 : i64} {
  func.func @body(%arg0: i32, %arg1: memref<1x1024x256xf32, #tpu.memory_space<vmem>>, %arg2: memref<1x256x1024xf32, #tpu.memory_space<vmem>>, %arg3: memref<1x256x1024xf32, #tpu.memory_space<vmem>>) attributes {dimension_semantics = [#tpu.dimension_semantics<arbitrary>], iteration_bounds = array<i64: 8>, scalar_prefetch = 0 : i64, scratch_operands = 0 : i64, tpu.core_type = #tpu.core_type<tc>, window_params = [{transform_indices = @transform_0, window_bounds = array<i64: 1, 1024, 256>}, {transform_indices = @transform_1, window_bounds = array<i64: 1, 256, 1024>}, {transform_indices = @transform_2, window_bounds = array<i64: 1, 256, 1024>}]} {
    %get3A = arith.constant 0 : index
    %get3A_0 = arith.constant 0 : index
    %get3A_1 = arith.constant 0 : index
    %get3A_2 = vector.load %arg1[%get3A, %get3A_0, %get3A_1] : memref<1x1024x256xf32, #tpu.memory_space<vmem>>, vector<1x1024x256xf32>
    %get3A_3 = vector.shape_cast %get3A_2 : vector<1x1024x256xf32> to vector<1024x256xf32>
    %transpose3A = tpu.transpose %get3A_3, [1, 0] : vector<1024x256xf32> -> vector<256x1024xf32>
    %swap3A = arith.constant 0 : index
    %swap3A_4 = arith.constant 0 : index
    %swap3A_5 = arith.constant 0 : index
    %swap3A_6 = vector.load %arg2[%swap3A, %swap3A_4, %swap3A_5] : memref<1x256x1024xf32, #tpu.memory_space<vmem>>, vector<1x256x1024xf32>
    %swap3A_7 = vector.shape_cast %swap3A_6 : vector<1x256x1024xf32> to vector<256x1024xf32>
    %swap3A_8 = vector.shape_cast %transpose3A : vector<256x1024xf32> to vector<1x256x1024xf32>
    tpu.vector_store %arg2[%swap3A, %swap3A_4, %swap3A_5], %swap3A_8 {strides = array<i32>} : memref<1x256x1024xf32, #tpu.memory_space<vmem>>, vector<1x256x1024xf32>,
    %swap3A_9 = arith.constant 0 : index
    %swap3A_10 = arith.constant 0 : index
    %swap3A_11 = arith.constant 0 : index
    %swap3A_12 = vector.load %arg3[%swap3A_9, %swap3A_10, %swap3A_11] : memref<1x256x1024xf32, #tpu.memory_space<vmem>>, vector<1x256x1024xf32>
    %swap3A_13 = vector.shape_cast %swap3A_12 : vector<1x256x1024xf32> to vector<256x1024xf32>
    %swap3A_14 = vector.shape_cast %transpose3A : vector<256x1024xf32> to vector<1x256x1024xf32>
    tpu.vector_store %arg3[%swap3A_9, %swap3A_10, %swap3A_11], %swap3A_14 {strides = array<i32>} : memref<1x256x1024xf32, #tpu.memory_space<vmem>>, vector<1x256x1024xf32>,
    return
  }
  func.func @transform_0(%arg0: i32) -> (i32, i32, i32) {
    %c0_i32 = arith.constant 0 : i32
    %c0_i32_0 = arith.constant 0 : i32
    %c0_i32_1 = arith.constant 0 : i32
    return %arg0, %c0_i32, %c0_i32_0 : i32, i32, i32
  }
  func.func @transform_1(%arg0: i32) -> (i32, i32, i32) {
    %c0_i32 = arith.constant 0 : i32
    %c0_i32_0 = arith.constant 0 : i32
    %c0_i32_1 = arith.constant 0 : i32
    return %arg0, %c0_i32, %c0_i32_0 : i32, i32, i32
  }
  func.func @transform_2(%arg0: i32) -> (i32, i32, i32) {
    %c0_i32 = arith.constant 0 : i32
    %c0_i32_0 = arith.constant 0 : i32
    %c0_i32_1 = arith.constant 0 : i32
    return %arg0, %c0_i32, %c0_i32_0 : i32, i32, i32
  }
}

</mosaic_0001>

<sc_bundles>
// kernel: kernel.5.cloned.1.call-start
scs
__scs_entry_jumppad:
0x0: {  	(pc) =	sbr.rel $0x88, $3  }
0x1: {  	(tag) =	ssettag $0x0;
	lr =	simm.s32 $0x1  }
0x2: {  	[smem:$0x3F9F] =	sst lr;
	_ =	strace $0xD0000000  }
0x3: {  	_ = 	snop  }
0x4: {  	_ = 	snop  }
0x5: {  	_ = 	snop  }
0x6: {  	_ = 	snop  }
0x7: {  	_ = 	snop  }
__scs_overlays_trampoline_lowered:
0x8: {  	[smem:$0x3FAE] =	sst s0  }
0x9: {  	[smem:$0x3FAF] =	sst s1  }
0xa: {  	[smem:$0x3FB0] =	sst s2  }
0xb: {  	[smem:$0x3FB1] =	sst s3  }
0xc: {  	[smem:$0x3FB2] =	sst s4  }
0xd: {  	[smem:$0x3FB3] =	sst s5  }
0xe: {  	[smem:$0x3FB4] =	sst s6  }
0xf: {  	[smem:$0x3FB5] =	sst s7  }
0x10: {  	[smem:$0x3FB6] =	sst s8  }
0x11: {  	[smem:$0x3FB7] =	sst s9;
	s0 =	simm.s32 @!p0 $0x0  }
0x12: {  	s1 =	sld [smem:$0x3F9D];
	s0 =	simm.s32 @p0 $0x1  }
0x13: {  	[smem:$0x3FB8] =	sst s0;
	s0 =	simm.s32 @!p1 $0x0  }
0x14: {  	s2 =	sld [smem:$0x3F9C];
	s0 =	simm.s32 @p1 $0x1  }
0x15: {  	[smem:$0x3FB9] =	sst s0;
	s0 =	simm.s32 @!p2 $0x0  }
0x16: {  	s3 =	sld [smem:$0x3FDB];
	s0 =	simm.s32 @p2 $0x1  }
0x17: {  	s4 =	simm.s32 $0x1BF5;
	[smem:$0x3FBB] =	sst s0  }
0x18: {  	s0 =	sld [smem:$0x3F9E];
	_ =	swait.ge [sflag:s4], $0x0  }
0x19: {  	s7 =	sld [smem:$0x3F9F]  }
0x1a: {  	s8 =	sadd.s32 $0xFFFFE003, lr  }
0x1b: {  	s9 =	sadd.s32 $0xFFFFFEF7, lr;
	s5 =	simm.s32 $0xFFFFFFFF;
	p2 =	slt.u32 s8, $0xFFFFF086  }
0x1c: {  	p1 =	slt.u32 s9, $0xF7A;
	s5 =	simm.s32 @!p2 $0x0  }
0x1d: {  	s5 =	simm.s32 @p1 $0x1;
	p0 =	seq.s32 s7, s2  }
0x1e: {  	s7 =	smul.u32 @!p0 $0xF7A, s2;
	p2 =	seq.s32 @!p0 s5, $0x0  }
0x1f: {  	s9 =	smul.u32 $0xF7A, s1;
	s8 =	simm.s32 @!p0 $0x1BF5;
	p2 =	por !p2, p0  }
0x20: {  	[sflag:s8] =	ssyncset.s32 @!p0 $0xFFFFF086;
	s6 =	sadd.s32 @!p0 s3, s7;
	s7 =	simm.s32 @!p0 $0x108  }
0x21: {  	s3 =	sadd.s32 s3, s9;
	s6 =	sadd.s32 @!p0 $0x88, s6;
	s7 =	simm.s32 @p2 $0x1082  }
0x22: {  	[simem:s7], [sflag:s8] =	dma.local @!p0 [hbm:s6], $0xF7A  }
0x23: {  	s9 =	sor.u32 $0xD0000000, s2;
	s6 =	simm.s32 $0x108;
	_ =	swait.ge @!p0 [sflag:s8], $0x0  }
0x24: {  	s3 =	sadd.s32 $0x88, s3;
	s6 =	simm.s32 @!p1 $0x1082;
	[sflag:s4] =	ssyncset.s32 $0xFFFFF086  }
0x25: {  	[simem:s6], [sflag:s4] =	dma.local [hbm:s3], $0xF7A  }
0x26: {  	[smem:$0x3F9F] =	sst s1;
	(tag) =	ssettag s2;
	_ =	strace s9  }
0x27: {  	s1 =	sld [smem:$0x3FAF]  }
0x28: {  	s2 =	sld [smem:$0x3FB0]  }
0x29: {  	s4 =	sld [smem:$0x3FB2]  }
0x2a: {  	p0 =	seq.s32 s5, $0x0;
	s5 =	sld [smem:$0x3FB3]  }
0x2b: {  	s6 =	sld [smem:$0x3FB4]  }
0x2c: {  	s7 =	sld [smem:$0x3FB5]  }
0x2d: {  	s3 =	simm.s32 $0x108;
	s8 =	sld [smem:$0x3FB6]  }
0x2e: {  	s3 =	simm.s32 @!p0 $0x1082;
	s9 =	sld [smem:$0x3FB7]  }
0x2f: {  	lr =	sadd.s32 s0, s3;
	s0 =	sld [smem:$0x3FAE]  }
0x30: {  	s3 =	sld [smem:$0x3FB1]  }
0x31: {  	[smem:$0x3FBA] =	sst s10  }
0x32: {  	s10 =	sld [smem:$0x3FB8];
	_ =	sdelay $0x3  }
0x33: {  	p0 =	seq.s32 s10, $0x1;
	s10 =	sld [smem:$0x3FBA];
	_ =	sdelay $0x3  }
0x34: {  	[smem:$0x3FBA] =	sst s10  }
0x35: {  	s10 =	sld [smem:$0x3FB9];
	_ =	sdelay $0x3  }
0x36: {  	p1 =	seq.s32 s10, $0x1;
	s10 =	sld [smem:$0x3FBA];
	_ =	sdelay $0x3  }
0x37: {  	[smem:$0x3FBA] =	sst s10  }
0x38: {  	s10 =	sld [smem:$0x3FBB]  }
0x39: {  	_ = 	snop;
	(pc) =	sbr.ind lr, $3  }
0x3a: {  	_ = 	snop  }
0x3b: {  	_ = 	snop  }
0x3c: {  	p2 =	seq.s32 s10, $0x1;
	s10 =	sld [smem:$0x3FBA]  }
0x3d: {  	_ =	shalt  }
0x3e: {  	_ =	shalt  }
0x3f: {  	_ =	shalt  }
0x40: {  	_ =	shalt  }
0x41: {  	_ =	shalt  }
0x42: {  	_ =	shalt  }
0x43: {  	_ =	shalt  }
0x44: {  	_ =	shalt  }
0x45: {  	_ =	shalt  }
0x46: {  	_ =	shalt  }
0x47: {  	_ =	shalt  }
0x48: {  	_ =	shalt  }
0x49: {  	_ =	shalt  }
0x4a: {  	_ =	shalt  }
0x4b: {  	_ =	shalt  }
0x4c: {  	_ =	shalt  }
0x4d: {  	_ =	shalt  }
0x4e: {  	_ =	shalt  }
0x4f: {  	_ =	shalt  }
0x50: {  	_ =	shalt  }
0x51: {  	_ =	shalt  }
0x52: {  	_ =	shalt  }
0x53: {  	_ =	shalt  }
0x54: {  	_ =	shalt  }
0x55: {  	_ =	shalt  }
0x56: {  	_ =	shalt  }
0x57: {  	_ =	shalt  }
0x58: {  	_ =	shalt  }
0x59: {  	_ =	shalt  }
0x5a: {  	_ =	shalt  }
0x5b: {  	_ =	shalt  }
0x5c: {  	_ =	shalt  }
0x5d: {  	_ =	shalt  }
0x5e: {  	_ =	shalt  }
0x5f: {  	_ =	shalt  }
0x60: {  	_ =	shalt  }
0x61: {  	_ =	shalt  }
0x62: {  	_ =	shalt  }
0x63: {  	_ =	shalt  }
0x64: {  	_ =	shalt  }
0x65: {  	_ =	shalt  }
0x66: {  	_ =	shalt  }
0x67: {  	_ =	shalt  }
0x68: {  	_ =	shalt  }
0x69: {  	_ =	shalt  }
0x6a: {  	_ =	shalt  }
0x6b: {  	_ =	shalt  }
0x6c: {  	_ =	shalt  }
0x6d: {  	_ =	shalt  }
0x6e: {  	_ =	shalt  }
0x6f: {  	_ =	shalt  }
0x70: {  	_ =	shalt  }
0x71: {  	_ =	shalt  }
0x72: {  	_ =	shalt  }
0x73: {  	_ =	shalt  }
0x74: {  	_ =	shalt  }
0x75: {  	_ =	shalt  }
0x76: {  	_ =	shalt  }
0x77: {  	_ =	shalt  }
0x78: {  	_ =	shalt  }
0x79: {  	_ =	shalt  }
0x7a: {  	_ =	shalt  }
0x7b: {  	_ =	shalt  }
0x7c: {  	_ =	shalt  }
0x7d: {  	_ =	shalt  }
0x7e: {  	_ =	shalt  }
0x7f: {  	_ =	shalt  }
0x80: {  	_ =	shalt  }
0x81: {  	_ =	shalt  }
0x82: {  	_ =	shalt  }
0x83: {  	_ =	shalt  }
0x84: {  	_ =	shalt  }
0x85: {  	_ =	shalt  }
0x86: {  	_ =	shalt  }
0x87: {  	_ =	shalt  }
.Lfunc_end0:
.L_simem_size_0:
called_computation_lowered:
.L_overlay_start_0:
0x88: {  	s2 =	sld [smem:$0x3FD9]  }
0x89: {  	s3 =	sld [smem:$0x3FFE];
	_ =	sdelay $0x1  }
0x8a: {  	s1 =	srdreg.scid  }
0x8b: {  	s0 =	sand.u32 $0x1, s1  }
0x8c: {  	s15 =	sshll.u32 s0, $0xA;
	s2 =	sadd.s32 s3, s2  }
0x8d: {  	s2 =	sadd.s32 s2, s15  }
0x8e: {  	[smem:$0x3FC6] =	sst s2  }
0x8f: {  	_ = 	snop  }
0x90: {  	s2 =	sld [smem:$0x3FD0];
	_ =	sdelay $0x2  }
0x91: {  	s4 =	simm.s32 $0xA;
	s5 =	simm.s32 $0x10;
	s16 =	sld [smem:$0x3FC8]  }
0x92: {  	[smem:s5], [sflag:s4] =	dma.local [hbm:s2], $0x1  }
0x93: {  	_ =	swait.eq [sflag:s4], $0x1  }
0x94: {  	[sflag:s4] =	ssyncset.done $0x0  }
0x95: {  	s17 =	sld [smem:$0x10];
	[sflag:s4] =	ssyncadd.s32 $0xFFFFFFFF  }
0x96: {  	s18 =	sld [smem:$0x11];
	(tm) =	ssettm $0x1  }
0x97: {  	s19 =	sld [smem:$0x3FFB];
	_ =	sdelay $0x3  }
0x98: {  	_ =	strace s19  }
0x99: {  	s5 =	sld [smem:$0x3FFC];
	_ =	sdelay $0x3  }
0x9a: {  	_ =	strace s5  }
0x9b: {  	s5 =	sld [smem:$0x3FFD];
	_ =	sdelay $0x3  }
0x9c: {  	_ =	strace s5  }
0x9d: {  	_ =	strace $0x8FFFFFFF  }
0x9e: {  	s20 =	sld [smem:$0x3FDB];
	_ =	sdelay $0x1  }
0x9f: {  	s6 =	simm.s32 $_scs_section_size  }
0xa0: {  	s7 =	simm.s32 $_size__tile_overlayer_lowered;
	s8 =	simm.s32 $_tile_overlayer_lowered  }
0xa1: {  	s23 =	simm.s32 $0x1BFF;
	s22 =	sshll.u32 s8, $0x1;
	s5 =	sadd.s32 s6, s20  }
0xa2: {  	s9 =	simm.s32 $0x0;
	s21 =	sshll.u32 s7, $0x1;
	s7 =	sadd.s32 s22, s5  }
0xa3: {  	[timem:s9], [sflag:s23] =	dma.local [hbm:s7], s21  }
0xa4: {  	_ =	swait.ge [sflag:s23], s21  }
0xa5: {  	s6 =	ssub.s32 $0x0, s21;
	[sflag:s23] =	ssyncset.done $0x0  }
0xa6: {  	[sflag:s23] =	ssyncadd.s32 s6;
	_ =	sdelay $0x1  }
0xa7: {  	s24 =	simm.s32 $0x1B8B  }
0xa8: {  	_ =	swait.ge [sflag:s24], $0x1  }
0xa9: {  	[sflag:s24] =	ssyncset.done $0x0  }
0xaa: {  	s25 =	simm.s32 $0x1B8E;
	[sflag:s24] =	ssyncadd.s32 $0xFFFFFFFF  }
0xab: {  	s26 =	simm.s32 $execute0_lowered;
	[smem:$0x3FD2] =	sst s25  }
0xac: {  	s6 =	sshll.u32 s26, $0x1;
	_ =	strace $0x80000046;
	[dreg:$0x1] =	wrdreg $0xFFFFFFFF  }
0xad: {  	s28 =	simm.s32 $_size_execute0_lowered;
	s5 =	sadd.s32 s5, s6;
	[dreg:$0x0] =	wrdreg $0x0  }
0xae: {  	s6 =	sshll.u32 s28, $0x1;
	[dreg:$0x2] =	wrdreg s5  }
0xaf: {  	[dreg:$0x3] =	wrdreg s6  }
0xb0: {  	[dreg:$0x4] =	wrdreg $0xC0  }
0xb1: {  	_ =	task [dreg:s9], $0x5FFFF  }
0xb2: {  	[dreg:$0x1] =	wrdreg $0xFFFFFFFF  }
0xb3: {  	[dreg:$0x0] =	wrdreg $0x60  }
0xb4: {  	[dreg:$0x2] =	wrdreg s16  }
0xb5: {  	[dreg:$0x3] =	wrdreg s17  }
0xb6: {  	[dreg:$0x4] =	wrdreg s18  }
0xb7: {  	[dreg:$0x5] =	wrdreg $0x9  }
0xb8: {  	_ =	task.clear_ibuf [dreg:s9], $0x6FFFF;
	_ =	strace $0x90000046  }
0xb9: {  	s29 =	simm.s32 $0x9;
	_ =	strace $0x80000048  }
0xba: {  	_ =	swait.ge [sflag:s29], $0x1  }
0xbb: {  	[sflag:s29] =	ssyncadd.s32 $0xFFFFFFFF  }
0xbc: {  	_ =	strace $0x90000048  }
0xbd: {  	_ =	sfence  }
0xbe: {  	s30 =	sld [smem:$0x0];
	_ =	sdelay $0x2  }
0xbf: {  	s31 =	sshll.u32 s1, $0xD;
	s1 =	sshrl.u32 s1, $0x2  }
0xc0: {  	s3 =	sand.u32 $0x4000, s31;
	s1 =	sadd.s32 s1, s30  }
0xc1: {  	s0 =	sor.u32 s3, s0;
	s1 =	sshll.u32 s1, $0x11  }
0xc2: {  	s0 =	sor.u32 s1, s0  }
0xc3: {  	s0 =	sadd.s32 $0x8F2B, s0  }
0xc4: {  	[sflag:s0] =	ssyncadd.remote.s32 $0x1  }
0xc5: {  	_ =	sfence.sel $0xFFFF  }
0xc6: {  	[dreg:$0x0] =	wrdreg $0xFFFFFFFF;
	(pc) =	sbr.abs _section_cstart, $3  }
0xc7: {  	[dreg:$0x1] =	wrdreg $0xFFFFFFFF  }
0xc8: {  	_ =	task.clear_ibuf [dreg:s9], $0x2FFFF;
	_ =	strace $0x9FFFFFFF  }
0xc9: {  	(tm) =	ssettm $0x7FFFFFFF  }
tec
execute0_lowered:
.L_overlay_start_1:
0x0: {  	(tag) =	ssettag $0x1  }
0x1: {  	s1 =	rddreg [dreg:$0x0]  }
0x2: {  	s2 =	srdreg.scid;
	s4 =	rddreg [dreg:$0x1]  }
0x3: {  	s0 =	stileid.u32;
	s5 =	rddreg [dreg:$0x2]  }
0x4: {  	s3 =	simm.s32 $0x0;
	s19 =	simm.s32 $0x900;
	s20 =	simm.s32 $0x1100  }
0x5: {  	s21 =	simm.s32 $0x1900;
	s23 =	simm.s32 $0x2100;
	s24 =	simm.s32 $0x2900  }
0x6: {  	s25 =	simm.s32 $0x3100;
	s26 =	simm.s32 $0x3900;
	s8 =	simm.s32 $0x4900  }
0x7: {  	s9 =	simm.s32 $0x5100;
	s10 =	simm.s32 $0x5900;
	s11 =	simm.s32 $0x6100  }
0x8: {  	s12 =	simm.s32 $0x6900;
	s13 =	simm.s32 $0x7100;
	[smem:$0x7FF] =	sst s3  }
0x9: {  	s14 =	simm.s32 $0x7900;
	_ =	strace $0x80000047;
	[dreg:$0x6] =	wrdreg s19  }
0xa: {  	s15 =	simm.s32 $0x8100;
	s16 =	simm.s32 $0x8900;
	[dreg:$0x7] =	wrdreg s20  }
0xb: {  	s17 =	simm.s32 $0x9100;
	s28 =	simm.s32 $0xE100;
	[dreg:$0x8] =	wrdreg s21  }
0xc: {  	s29 =	simm.s32 $0xE900;
	s30 =	simm.s32 $0xF100;
	[dreg:$0x9] =	wrdreg s23  }
0xd: {  	s31 =	simm.s32 $0xF900;
	s2 =	sand.u32 $0x1, s2;
	[dreg:$0xa] =	wrdreg s24  }
0xe: {  	s6 =	sshll.u32 s0, $0x9;
	s7 =	sshll.u32 s2, $0x8;
	[dreg:$0xb] =	wrdreg s25  }
0xf: {  	s2 =	ssub.s32 $0x2, s2;
	[dreg:$0xc] =	wrdreg s26;
	s19 =	simm.s32 $0xA100  }
0x10: {  	s20 =	simm.s32 $0xA900;
	s21 =	simm.s32 $0xB100;
	s23 =	simm.s32 $0xC100  }
0x11: {  	s24 =	simm.s32 $0xC900;
	s25 =	simm.s32 $0xD100;
	s6 =	sor.u32 s7, s6  }
0x12: {  	s26 =	simm.s32 $0xD900;
	s22 =	sshrl.u32 s2, $0x1;
	s7 =	sshrl.u32 s6, $0x3  }
0x13: {  	s6 =	sshll.u32 s6, $0x5;
	s2 =	ssub.s32 s2, s22;
	s4 =	sadd.s32 s4, s7  }
0x14: {  	v2 =	vlaneseq.u32;
	s22 =	simm.s32 $0xB900;
	s18 =	sadd.s32 s5, s6;
	[dreg:$0x4] =	wrdreg s4  }
0x15: {  	vm0 =	vmmov $0xffff;
	v1 =	vshrl.u32 v2, $0x3;
	s5 =	simm.s32 $0x2;
	s6 =	simm.s32 $0x100;
	[dreg:$0x5] =	wrdreg s18  }
0x16: {  	v0 =	vand.u32 $0x7, v2;
	v2 =	vor.u32 $0x8, v2;
	v1 =	vmul.u32 $0x8, v1;
	s4 =	smax.u32 s2, $0x1;
	s18 =	simm.s32 $0x9900;
	s2 =	simm.s32 $0x1  }
.LBB2_1:
0x17: {  	s0 =	rddreg [dreg:$0x4]  }
0x18: {  	[tilespmem:s3], [sflag:$0x2] =	stream.linear.gather [hbm4b:s0+s3], $0x100, $0x38;
	[tilespmem:$0x10100] =	vst v63  }
0x19: {  	_ =	swait.ge [sflag:s5], $0x100  }
0x1a: {  	[sflag:s5] =	ssyncset.done $0x0  }
0x1b: {  	[sflag:s5] =	ssyncadd.s32 $0xFFFFFF00  }
0x1c: {  	v3 =	vld [tilespmem:$0x0];
	_ =	sdelay $0x4  }
0x1d: {  	v4 =	vshll.u32 v3, $0x1  }
0x1e: {  	v3 =	vand.u32 $0x7, v3;
	v4 =	vand.u32 $0xFFFFFFF0, v4  }
0x1f: {  	v3 =	vor.u32 v3, v4  }
0x20: {  	v4 =	vperm.xlane v3, v0;
	_ =	sdelay $0x1  }
0x21: {  	v3 =	vperm.xlane v3, v2;
	v4 =	vadd.s32 v1, v4;
	_ =	sdelay $0x1  }
0x22: {  	v3 =	vadd.s32 v1, v3;
	_ =	sdelay $0x2  }
0x23: {  	[tilespmem:s6], [sflag:$0x1] =	stream.indirect_vreg.gather [hbm4b:s1+s3], $0x80, v4, vm0, $0xb8;
	[tilespmem:$0x10100] =	vst v63  }
0x24: {  	s7 =	rddreg [dreg:$0x6]  }
0x25: {  	[tilespmem:s7], [sflag:$0x1] =	stream.indirect_vreg.gather [hbm4b:s1+s3], $0x80, v3, vm0, $0xb8;
	[tilespmem:$0x10100] =	vst v63  }
0x26: {  	v3 =	vld [tilespmem:$0x10];
	_ =	sdelay $0x4  }
0x27: {  	v49 =	vshll.u32 v3, $0x1  }
0x28: {  	v3 =	vand.u32 $0x7, v3;
	v4 =	vand.u32 $0xFFFFFFF0, v49  }
0x29: {  	v3 =	vor.u32 v3, v4  }
0x2a: {  	v4 =	vperm.xlane v3, v0;
	_ =	sdelay $0x1  }
0x2b: {  	v3 =	vperm.xlane v3, v2;
	v4 =	vadd.s32 v1, v4;
	_ =	sdelay $0x1  }
0x2c: {  	v3 =	vadd.s32 v1, v3;
	_ =	sdelay $0x1  }
0x2d: {  	s0 =	rddreg [dreg:$0x7]  }
0x2e: {  	[tilespmem:s0], [sflag:$0x1] =	stream.indirect_vreg.gather [hbm4b:s1+s3], $0x80, v4, vm0, $0xb8;
	[tilespmem:$0x10100] =	vst v63  }
0x2f: {  	s7 =	rddreg [dreg:$0x8]  }
0x30: {  	[tilespmem:s7], [sflag:$0x1] =	stream.indirect_vreg.gather [hbm4b:s1+s3], $0x80, v3, vm0, $0xb8;
	[tilespmem:$0x10100] =	vst v63  }
0x31: {  	v3 =	vld [tilespmem:$0x20];
	_ =	sdelay $0x4  }
0x32: {  	v50 =	vshll.u32 v3, $0x1  }
0x33: {  	v3 =	vand.u32 $0x7, v3;
	v4 =	vand.u32 $0xFFFFFFF0, v50  }
0x34: {  	v3 =	vor.u32 v3, v4  }
0x35: {  	v4 =	vperm.xlane v3, v0;
	_ =	sdelay $0x1  }
0x36: {  	v3 =	vperm.xlane v3, v2;
	v4 =	vadd.s32 v1, v4;
	_ =	sdelay $0x1  }
0x37: {  	v3 =	vadd.s32 v1, v3;
	_ =	sdelay $0x1  }
0x38: {  	s0 =	rddreg [dreg:$0x9]  }
0x39: {  	[tilespmem:s0], [sflag:$0x1] =	stream.indirect_vreg.gather [hbm4b:s1+s3], $0x80, v4, vm0, $0xb8;
	[tilespmem:$0x10100] =	vst v63  }
0x3a: {  	s7 =	rddreg [dreg:$0xa]  }
0x3b: {  	[tilespmem:s7], [sflag:$0x1] =	stream.indirect_vreg.gather [hbm4b:s1+s3], $0x80, v3, vm0, $0xb8;
	[tilespmem:$0x10100] =	vst v63  }
0x3c: {  	v3 =	vld [tilespmem:$0x30];
	_ =	sdelay $0x4  }
0x3d: {  	v51 =	vshll.u32 v3, $0x1  }
0x3e: {  	v3 =	vand.u32 $0x7, v3;
	v4 =	vand.u32 $0xFFFFFFF0, v51  }
0x3f: {  	v3 =	vor.u32 v3, v4  }
0x40: {  	v4 =	vperm.xlane v3, v0;
	_ =	sdelay $0x1  }
0x41: {  	v3 =	vperm.xlane v3, v2;
	v4 =	vadd.s32 v1, v4;
	_ =	sdelay $0x1  }
0x42: {  	v3 =	vadd.s32 v1, v3;
	_ =	sdelay $0x1  }
0x43: {  	s0 =	rddreg [dreg:$0xb]  }
0x44: {  	[tilespmem:s0], [sflag:$0x1] =	stream.indirect_vreg.gather [hbm4b:s1+s3], $0x80, v4, vm0, $0xb8;
	[tilespmem:$0x10100] =	vst v63  }
0x45: {  	s7 =	rddreg [dreg:$0xc]  }
0x46: {  	[tilespmem:s7], [sflag:$0x1] =	stream.indirect_vreg.gather [hbm4b:s1+s3], $0x80, v3, vm0, $0xb8;
	[tilespmem:$0x10100] =	vst v63  }
0x47: {  	v3 =	vld [tilespmem:$0x40];
	_ =	sdelay $0x4  }
0x48: {  	v52 =	vshll.u32 v3, $0x1  }
0x49: {  	v3 =	vand.u32 $0x7, v3;
	v4 =	vand.u32 $0xFFFFFFF0, v52  }
0x4a: {  	v3 =	vor.u32 v3, v4  }
0x4b: {  	v4 =	vperm.xlane v3, v0;
	_ =	sdelay $0x1  }
0x4c: {  	v3 =	vperm.xlane v3, v2;
	v4 =	vadd.s32 v1, v4;
	_ =	sdelay $0x1  }
0x4d: {  	v3 =	vadd.s32 v1, v3;
	_ =	sdelay $0x1  }
0x4e: {  	s7 =	simm.s32 $0x4100  }
0x4f: {  	[tilespmem:s7], [sflag:$0x1] =	stream.indirect_vreg.gather [hbm4b:s1+s3], $0x80, v4, vm0, $0xb8;
	[tilespmem:$0x10100] =	vst v63  }
0x50: {  	_ = 	snop  }
0x51: {  	[tilespmem:s8], [sflag:$0x1] =	stream.indirect_vreg.gather [hbm4b:s1+s3], $0x80, v3, vm0, $0xb8;
	[tilespmem:$0x10100] =	vst v63  }
0x52: {  	v3 =	vld [tilespmem:$0x50];
	_ =	sdelay $0x4  }
0x53: {  	v53 =	vshll.u32 v3, $0x1  }
0x54: {  	v3 =	vand.u32 $0x7, v3;
	v4 =	vand.u32 $0xFFFFFFF0, v53  }
0x55: {  	v3 =	vor.u32 v3, v4  }
0x56: {  	v4 =	vperm.xlane v3, v0;
	_ =	sdelay $0x1  }
0x57: {  	v3 =	vperm.xlane v3, v2;
	v4 =	vadd.s32 v1, v4;
	_ =	sdelay $0x1  }
0x58: {  	v3 =	vadd.s32 v1, v3;
	_ =	sdelay $0x2  }
0x59: {  	[tilespmem:s9], [sflag:$0x1] =	stream.indirect_vreg.gather [hbm4b:s1+s3], $0x80, v4, vm0, $0xb8;
	[tilespmem:$0x10100] =	vst v63  }
0x5a: {  	_ = 	snop  }
0x5b: {  	[tilespmem:s10], [sflag:$0x1] =	stream.indirect_vreg.gather [hbm4b:s1+s3], $0x80, v3, vm0, $0xb8;
	[tilespmem:$0x10100] =	vst v63  }
0x5c: {  	v3 =	vld [tilespmem:$0x60];
	_ =	sdelay $0x4  }
0x5d: {  	v54 =	vshll.u32 v3, $0x1  }
0x5e: {  	v3 =	vand.u32 $0x7, v3;
	v4 =	vand.u32 $0xFFFFFFF0, v54  }
0x5f: {  	v3 =	vor.u32 v3, v4  }
0x60: {  	v4 =	vperm.xlane v3, v0;
	_ =	sdelay $0x1  }
0x61: {  	v3 =	vperm.xlane v3, v2;
	v4 =	vadd.s32 v1, v4;
	_ =	sdelay $0x1  }
0x62: {  	v3 =	vadd.s32 v1, v3;
	_ =	sdelay $0x2  }
0x63: {  	[tilespmem:s11], [sflag:$0x1] =	stream.indirect_vreg.gather [hbm4b:s1+s3], $0x80, v4, vm0, $0xb8;
	[tilespmem:$0x10100] =	vst v63  }
0x64: {  	_ = 	snop  }
0x65: {  	[tilespmem:s12], [sflag:$0x1] =	stream.indirect_vreg.gather [hbm4b:s1+s3], $0x80, v3, vm0, $0xb8;
	[tilespmem:$0x10100] =	vst v63  }
0x66: {  	v3 =	vld [tilespmem:$0x70];
	_ =	sdelay $0x4  }
0x67: {  	v55 =	vshll.u32 v3, $0x1  }
0x68: {  	v3 =	vand.u32 $0x7, v3;
	v4 =	vand.u32 $0xFFFFFFF0, v55  }
0x69: {  	v3 =	vor.u32 v3, v4  }
0x6a: {  	v4 =	vperm.xlane v3, v0;
	_ =	sdelay $0x1  }
0x6b: {  	v3 =	vperm.xlane v3, v2;
	v4 =	vadd.s32 v1, v4;
	_ =	sdelay $0x1  }
0x6c: {  	v3 =	vadd.s32 v1, v3;
	_ =	sdelay $0x2  }
0x6d: {  	[tilespmem:s13], [sflag:$0x1] =	stream.indirect_vreg.gather [hbm4b:s1+s3], $0x80, v4, vm0, $0xb8;
	[tilespmem:$0x10100] =	vst v63  }
0x6e: {  	_ = 	snop  }
0x6f: {  	[tilespmem:s14], [sflag:$0x1] =	stream.indirect_vreg.gather [hbm4b:s1+s3], $0x80, v3, vm0, $0xb8;
	[tilespmem:$0x10100] =	vst v63  }
0x70: {  	v3 =	vld [tilespmem:$0x80];
	_ =	sdelay $0x4  }
0x71: {  	v56 =	vshll.u32 v3, $0x1  }
0x72: {  	v3 =	vand.u32 $0x7, v3;
	v4 =	vand.u32 $0xFFFFFFF0, v56  }
0x73: {  	v3 =	vor.u32 v3, v4  }
0x74: {  	v4 =	vperm.xlane v3, v0;
	_ =	sdelay $0x1  }
0x75: {  	v3 =	vperm.xlane v3, v2;
	v4 =	vadd.s32 v1, v4;
	_ =	sdelay $0x1  }
0x76: {  	v3 =	vadd.s32 v1, v3;
	_ =	sdelay $0x2  }
0x77: {  	[tilespmem:s15], [sflag:$0x1] =	stream.indirect_vreg.gather [hbm4b:s1+s3], $0x80, v4, vm0, $0xb8;
	[tilespmem:$0x10100] =	vst v63  }
0x78: {  	_ = 	snop  }
0x79: {  	[tilespmem:s16], [sflag:$0x1] =	stream.indirect_vreg.gather [hbm4b:s1+s3], $0x80, v3, vm0, $0xb8;
	[tilespmem:$0x10100] =	vst v63  }
0x7a: {  	v3 =	vld [tilespmem:$0x90];
	_ =	sdelay $0x4  }
0x7b: {  	v57 =	vshll.u32 v3, $0x1  }
0x7c: {  	v3 =	vand.u32 $0x7, v3;
	v4 =	vand.u32 $0xFFFFFFF0, v57  }
0x7d: {  	v3 =	vor.u32 v3, v4  }
0x7e: {  	v4 =	vperm.xlane v3, v0;
	_ =	sdelay $0x1  }
0x7f: {  	v3 =	vperm.xlane v3, v2;
	v4 =	vadd.s32 v1, v4;
	_ =	sdelay $0x1  }
0x80: {  	v3 =	vadd.s32 v1, v3;
	_ =	sdelay $0x2  }
0x81: {  	[tilespmem:s17], [sflag:$0x1] =	stream.indirect_vreg.gather [hbm4b:s1+s3], $0x80, v4, vm0, $0xb8;
	[tilespmem:$0x10100] =	vst v63  }
0x82: {  	_ = 	snop  }
0x83: {  	[tilespmem:s18], [sflag:$0x1] =	stream.indirect_vreg.gather [hbm4b:s1+s3], $0x80, v3, vm0, $0xb8;
	[tilespmem:$0x10100] =	vst v63  }
0x84: {  	v3 =	vld [tilespmem:$0xA0];
	_ =	sdelay $0x4  }
0x85: {  	v58 =	vshll.u32 v3, $0x1  }
0x86: {  	v3 =	vand.u32 $0x7, v3;
	v4 =	vand.u32 $0xFFFFFFF0, v58  }
0x87: {  	v3 =	vor.u32 v3, v4  }
0x88: {  	v4 =	vperm.xlane v3, v0;
	_ =	sdelay $0x1  }
0x89: {  	v3 =	vperm.xlane v3, v2;
	v4 =	vadd.s32 v1, v4;
	_ =	sdelay $0x1  }
0x8a: {  	v3 =	vadd.s32 v1, v3;
	_ =	sdelay $0x2  }
0x8b: {  	[tilespmem:s19], [sflag:$0x1] =	stream.indirect_vreg.gather [hbm4b:s1+s3], $0x80, v4, vm0, $0xb8;
	[tilespmem:$0x10100] =	vst v63  }
0x8c: {  	_ = 	snop  }
0x8d: {  	[tilespmem:s20], [sflag:$0x1] =	stream.indirect_vreg.gather [hbm4b:s1+s3], $0x80, v3, vm0, $0xb8;
	[tilespmem:$0x10100] =	vst v63  }
0x8e: {  	v3 =	vld [tilespmem:$0xB0];
	_ =	sdelay $0x4  }
0x8f: {  	v59 =	vshll.u32 v3, $0x1  }
0x90: {  	v3 =	vand.u32 $0x7, v3;
	v4 =	vand.u32 $0xFFFFFFF0, v59  }
0x91: {  	v3 =	vor.u32 v3, v4  }
0x92: {  	v4 =	vperm.xlane v3, v0;
	_ =	sdelay $0x1  }
0x93: {  	v3 =	vperm.xlane v3, v2;
	v4 =	vadd.s32 v1, v4;
	_ =	sdelay $0x1  }
0x94: {  	v3 =	vadd.s32 v1, v3;
	_ =	sdelay $0x2  }
0x95: {  	[tilespmem:s21], [sflag:$0x1] =	stream.indirect_vreg.gather [hbm4b:s1+s3], $0x80, v4, vm0, $0xb8;
	[tilespmem:$0x10100] =	vst v63  }
0x96: {  	_ = 	snop  }
0x97: {  	[tilespmem:s22], [sflag:$0x1] =	stream.indirect_vreg.gather [hbm4b:s1+s3], $0x80, v3, vm0, $0xb8;
	[tilespmem:$0x10100] =	vst v63  }
0x98: {  	v3 =	vld [tilespmem:$0xC0];
	_ =	sdelay $0x4  }
0x99: {  	v60 =	vshll.u32 v3, $0x1  }
0x9a: {  	v3 =	vand.u32 $0x7, v3;
	v4 =	vand.u32 $0xFFFFFFF0, v60  }
0x9b: {  	v3 =	vor.u32 v3, v4  }
0x9c: {  	v4 =	vperm.xlane v3, v0;
	_ =	sdelay $0x1  }
0x9d: {  	v3 =	vperm.xlane v3, v2;
	v4 =	vadd.s32 v1, v4;
	_ =	sdelay $0x1  }
0x9e: {  	v3 =	vadd.s32 v1, v3;
	_ =	sdelay $0x2  }
0x9f: {  	[tilespmem:s23], [sflag:$0x1] =	stream.indirect_vreg.gather [hbm4b:s1+s3], $0x80, v4, vm0, $0xb8;
	[tilespmem:$0x10100] =	vst v63  }
0xa0: {  	_ = 	snop  }
0xa1: {  	[tilespmem:s24], [sflag:$0x1] =	stream.indirect_vreg.gather [hbm4b:s1+s3], $0x80, v3, vm0, $0xb8;
	[tilespmem:$0x10100] =	vst v63  }
0xa2: {  	v3 =	vld [tilespmem:$0xD0];
	_ =	sdelay $0x4  }
0xa3: {  	v61 =	vshll.u32 v3, $0x1  }
0xa4: {  	v3 =	vand.u32 $0x7, v3;
	v4 =	vand.u32 $0xFFFFFFF0, v61  }
0xa5: {  	v3 =	vor.u32 v3, v4  }
0xa6: {  	v4 =	vperm.xlane v3, v0;
	_ =	sdelay $0x1  }
0xa7: {  	v3 =	vperm.xlane v3, v2;
	v4 =	vadd.s32 v1, v4;
	_ =	sdelay $0x1  }
0xa8: {  	v3 =	vadd.s32 v1, v3;
	_ =	sdelay $0x2  }
0xa9: {  	[tilespmem:s25], [sflag:$0x1] =	stream.indirect_vreg.gather [hbm4b:s1+s3], $0x80, v4, vm0, $0xb8;
	[tilespmem:$0x10100] =	vst v63  }
0xaa: {  	_ = 	snop  }
0xab: {  	[tilespmem:s26], [sflag:$0x1] =	stream.indirect_vreg.gather [hbm4b:s1+s3], $0x80, v3, vm0, $0xb8;
	[tilespmem:$0x10100] =	vst v63  }
0xac: {  	v3 =	vld [tilespmem:$0xE0];
	_ =	sdelay $0x4  }
0xad: {  	v62 =	vshll.u32 v3, $0x1  }
0xae: {  	v3 =	vand.u32 $0x7, v3;
	v4 =	vand.u32 $0xFFFFFFF0, v62  }
0xaf: {  	v3 =	vor.u32 v3, v4  }
0xb0: {  	v4 =	vperm.xlane v3, v0;
	_ =	sdelay $0x1  }
0xb1: {  	v3 =	vperm.xlane v3, v2;
	v4 =	vadd.s32 v1, v4;
	_ =	sdelay $0x1  }
0xb2: {  	v3 =	vadd.s32 v1, v3;
	_ =	sdelay $0x2  }
0xb3: {  	[tilespmem:s28], [sflag:$0x1] =	stream.indirect_vreg.gather [hbm4b:s1+s3], $0x80, v4, vm0, $0xb8;
	[tilespmem:$0x10100] =	vst v63  }
0xb4: {  	_ = 	snop  }
0xb5: {  	[tilespmem:s29], [sflag:$0x1] =	stream.indirect_vreg.gather [hbm4b:s1+s3], $0x80, v3, vm0, $0xb8;
	[tilespmem:$0x10100] =	vst v63  }
0xb6: {  	v3 =	vld [tilespmem:$0xF0];
	_ =	sdelay $0x4  }
0xb7: {  	v63 =	vshll.u32 v3, $0x1  }
0xb8: {  	v3 =	vand.u32 $0x7, v3;
	v4 =	vand.u32 $0xFFFFFFF0, v63  }
0xb9: {  	v3 =	vor.u32 v3, v4  }
0xba: {  	v4 =	vperm.xlane v3, v0;
	_ =	sdelay $0x1  }
0xbb: {  	v3 =	vperm.xlane v3, v2;
	v4 =	vadd.s32 v1, v4;
	_ =	sdelay $0x1  }
0xbc: {  	v3 =	vadd.s32 v1, v3;
	_ =	sdelay $0x2  }
0xbd: {  	[tilespmem:s30], [sflag:$0x1] =	stream.indirect_vreg.gather [hbm4b:s1+s3], $0x80, v4, vm0, $0xb8;
	[tilespmem:$0x10100] =	vst v63  }
0xbe: {  	_ = 	snop  }
0xbf: {  	[tilespmem:s31], [sflag:$0x1] =	stream.indirect_vreg.gather [hbm4b:s1+s3], $0x80, v3, vm0, $0xb8;
	[tilespmem:$0x10100] =	vst v63  }
0xc0: {  	_ =	swait.ge [sflag:s2], $0x10000  }
0xc1: {  	p0 =	sne.s32 s4, $0x1;
	[sflag:s2] =	ssyncset.done $0x0  }
.Ltmp0:
0xc2: {  	s7 =	rddreg [dreg:$0x5];
	[sflag:s2] =	ssyncadd.s32 $0xFFFF0000;
	(pc) =	sbr.rel @p0 .LBB2_1-.Ltmp0, $4  }
0xc3: {  	[hbm4b:s7+s3] =	stream.linear.scatter [tilespmem:s6], [sflag:$0x2], $0x10000, $0x38;
	[tilespmem:$0x10100] =	vst v63  }
0xc4: {  	_ =	swait.ge [sflag:s5], $0x10000  }
0xc5: {  	[sflag:s5] =	ssyncset.done $0x0  }
0xc6: {  	s4 =	sadd.s32 $0xFFFFFFFF, s4;
	[sflag:s5] =	ssyncadd.s32 $0xFFFF0000  }
0xc7: {  	_ =	sfence.sel $0x180000  }
0xc8: {  	[bflag:$0x0] =	sbarrier.arrive $0xFFFF  }
0xc9: {  	_ =	strace $0x90000047  }
0xca: {  	s0 =	stileid.u32;
	[bflag:$0x2] =	sbarrier.arrive $0xFFFF  }
0xcb: {  	p0 =	sne.s32 s0, $0x0;
	s0 =	rddreg [dreg:$0x3]  }
0xcc: {  	s0 =	sadd.s32 @!p0 $0x100000, s0  }
0xcd: {  	[sflag:s0] =	ssyncadd.tile.s32 @!p0 $0x1;
	_ =	shalt  }
.Lfunc_end2:
_tile_overlayer_lowered:
.L_overlay_start_2:
0xce: {  	(tag) =	ssettag $0x2  }
0xcf: {  	s0 =	rddreg [dreg:$0x0];
	s2 =	stileid.u32  }
0xd0: {  	s1 =	rddreg [dreg:$0x1];
	p0 =	sne.s32 s2, $0x0  }
0xd1: {  	s3 =	rddreg [dreg:$0x2];
	[bflag:$0x3] =	sbarrier.arrive $0xFFFF;
	s2 =	simm.s32 @!p0 $0x1C02  }
0xd2: {  	[timem:s3], [sflag:s2] =	dma.local @!p0 [hbm:s0], s1  }
0xd3: {  	s0 =	simm.s32 @!p0 $0x2  }
0xd4: {  	_ =	swait.ge @!p0 [sflag:s0], s1  }
0xd5: {  	s1 =	ssub.s32 @!p0 $0x0, s1;
	[sflag:s0] =	ssyncset.done @!p0 $0x0  }
0xd6: {  	[sflag:s0] =	ssyncadd.s32 @!p0 s1  }
0xd7: {  	[bflag:$0x3] =	sbarrier.arrive $0xFFFF  }
0xd8: {  	_ =	shalt  }

</sc_bundles>
